<compile_context>
chip_gen: v7x
topology: tpu7x:2x2x1
jax: 0.10.2.dev20260603
libtpu: 0.0.44.dev20260713+nightly
codegen_flags: <defaults>
</compile_context>

<pallas_src>
import functools

import jax
import jax.numpy as jnp
from jax import lax
from jax.experimental import pallas as pl
from jax.experimental.pallas import tpu as pltpu
from jax.experimental.pallas import tpu_sc as plsc

B, L, P = 16, 4096, 128
SEP = 0
LANES = 16
NC, NS = 2, 16
HALF = L // 2
CHUNKS = HALF // LANES
ROW_WORDS = P * L
WORK_WORDS = ROW_WORDS // 2
ZB = 8192
NZCOPY = WORK_WORDS // ZB
SCAT = 16


def _body(codes_2d, values_2d, padded_hbm, lengths_hbm,
          codes_v, vals_v, codes_p, dest_v, sval_v, hist_v, tmp_v, zero_v,
          shared_hist, zsem, ssem):
    c_id = lax.axis_index("c")
    s_id = lax.axis_index("s")
    w = c_id * NS + s_id
    b = w // 2
    h = s_id % 2
    b_local = s_id // 2
    row_off = b * L
    row_base = b * ROW_WORDS
    safe = row_base + ROW_WORDS - 1

    with jax.named_scope("p1_stage"):
        pl.when(h == 1)(lambda: pltpu.sync_copy(
            codes_2d.at[b, pl.ds(0, HALF)], codes_p))
        pltpu.sync_copy(codes_2d.at[b, pl.ds(h * HALF, HALF)], codes_v)
        pltpu.sync_copy(values_2d.at[b, pl.ds(h * HALF, HALF)], vals_v)

    zeros16f = jnp.zeros((LANES,), jnp.float32)
    zeros16i = jnp.zeros((LANES,), jnp.int32)

    with jax.named_scope("p2_zfill"):
        def _zb(k, carry):
            zero_v[pl.ds(k * LANES, LANES)] = zeros16f
            return carry
        lax.fori_loop(0, ZB // LANES, _zb, 0)
        for i in range(P // LANES):
            hist_v[pl.ds(i * LANES, LANES)] = zeros16i

        zdescs = [
            pltpu.async_copy(
                zero_v,
                padded_hbm.at[pl.ds(w * WORK_WORDS + j * ZB, ZB)],
                zsem)
            for j in range(NZCOPY)
        ]

    def _prescan(k, carry):
        cnt, stv = carry
        c = codes_p[pl.ds(k * LANES, LANES)]
        m = c == SEP
        cs = plsc.cumsum(jnp.where(m, 1, 0).astype(jnp.int32))
        iv = k * LANES + lax.iota(jnp.int32, LANES)
        cm = plsc.cummax(jnp.where(m, iv + 1, 0))
        return cnt + cs[15], jnp.maximum(stv, cm[15])

    with jax.named_scope("p3_prescan"):
        cnt0, stv0 = lax.fori_loop(
            0, h * CHUNKS, _prescan,
            (jnp.zeros((LANES,), jnp.int32), jnp.int32(0)))

    ones16 = jnp.ones((LANES,), jnp.int32)
    base_i = h * HALF

    def _scan(k, carry):
        cnt, stv = carry
        c = codes_v[pl.ds(k * LANES, LANES)]
        v = vals_v[pl.ds(k * LANES, LANES)]
        m = c == SEP
        si = jnp.where(m, 1, 0).astype(jnp.int32)
        cs = plsc.cumsum(si)
        piece = cnt + (cs - si)
        iv = base_i + k * LANES + lax.iota(jnp.int32, LANES)
        spos = jnp.where(m, iv + 1, 0)
        start = jnp.maximum(plsc.cummax(spos), stv)
        pos = iv - start
        inb = jnp.logical_and(jnp.logical_not(m), piece < P)
        dest = jnp.where(inb, row_base + piece * L + pos, safe)
        val = jnp.where(inb, v, 0.0)
        dest_v[k // 8, pl.ds((k % 8) * LANES, LANES)] = dest
        sval_v[k // 8, pl.ds((k % 8) * LANES, LANES)] = val
        plsc.addupdate_scatter(hist_v, [piece], ones16, mask=inb)
        return cnt + cs[15], start[15]

    with jax.named_scope("p4_scan"):
        lax.fori_loop(0, CHUNKS, _scan, (cnt0, stv0))

    pl.when(h == 0)(lambda: pltpu.sync_copy(hist_v, shared_hist.at[b_local]))

    with jax.named_scope("p6_drain"):
        for d in zdescs:
            d.wait()
        plsc.subcore_barrier()

    with jax.named_scope("p7_scatter"):
        sdescs = [
            pltpu.async_copy(sval_v.at[j], padded_hbm.at[dest_v.at[j]], ssem)
            for j in range(SCAT)
        ]
        for d in sdescs:
            d.wait()

    def _lengths():
        pltpu.sync_copy(shared_hist.at[b_local], tmp_v)
        for i in range(P // LANES):
            sl = pl.ds(i * LANES, LANES)
            hist_v[sl] = hist_v[sl] + tmp_v[sl]
        pltpu.sync_copy(hist_v, lengths_hbm.at[pl.ds(b * P, P)])
    with jax.named_scope("p8_lens"):
        pl.when(h == 1)(_lengths)


@jax.jit
def _split_sc(codes_f, values_f):
    mesh = plsc.VectorSubcoreMesh(
        core_axis_name="c", subcore_axis_name="s",
        num_cores=NC, num_subcores=NS)
    return pl.kernel(
        _body,
        out_type=(
            jax.ShapeDtypeStruct((B * P * L,), jnp.float32),
            jax.ShapeDtypeStruct((B * P,), jnp.int32),
        ),
        mesh=mesh,
        compiler_params=pltpu.CompilerParams(needs_layout_passes=False),
        scratch_types=[
            pltpu.VMEM((HALF,), jnp.int32),
            pltpu.VMEM((HALF,), jnp.float32),
            pltpu.VMEM((HALF,), jnp.int32),
            pltpu.VMEM((SCAT, 128), jnp.int32),
            pltpu.VMEM((SCAT, 128), jnp.float32),
            pltpu.VMEM((P,), jnp.int32),
            pltpu.VMEM((P,), jnp.int32),
            pltpu.VMEM((ZB,), jnp.float32),
            pltpu.VMEM_SHARED((NS // 2, P), jnp.int32),
            pltpu.SemaphoreType.DMA,
            pltpu.SemaphoreType.DMA,
        ],
    )(codes_f, values_f)


def kernel(codes, values):
    padded_f, lengths_f = _split_sc(codes, values)
    return padded_f.reshape(B, P, L), lengths_f.reshape(B, P)

# --- scband reference (transcript-rebuilt; emitter-appended) ---
"""Pipeline reference for scband-split-70420283785950 (READ-ONLY COPY).

The authoritative reference and input builder live on the scoring server;
editing this copy changes nothing except your own understanding.
"""

import jax, jax.numpy as jnp
import numpy as np

B, L, P = 16, 4096, 128  # batch, string length (chars), max pieces per string
SEP = 0  # separator char code (codes are drawn from [0, 100), ~1% separator density)


def setup_inputs(seed: int = 0) -> dict:
    key = jax.random.key(seed)
    k1, k2 = jax.random.split(key)
    codes = jax.random.randint(k1, (B, L), 0, 100, dtype=jnp.int32)
    values = jax.random.normal(k2, (B, L), dtype=jnp.float32)
    return {"codes": codes, "values": values}


def reference(codes, values):
    # Numeric analog of tf.strings.split: each row of `codes` is a 'string' of
    # char codes; SEP marks piece boundaries. Separator chars are dropped and the
    # remaining chars are routed into a padded ragged layout [B, P, L] (piece-major),
    # carrying the float payload `values` per char. Also returns per-piece lengths.
    is_sep = (codes == SEP)
    is_sep_i = is_sep.astype(jnp.int32)
    # piece id of each char = number of separators strictly before it
    piece_id = jnp.cumsum(is_sep_i, axis=1) - is_sep_i
    idx = jnp.arange(L, dtype=jnp.int32)[None, :]
    # start index of the current piece = (last sep position at or before i) + 1
    sep_pos = jnp.where(is_sep, idx + 1, 0)
    start = jax.lax.cummax(sep_pos, axis=1)
    pos = idx - start  # position within the piece
    # route separators (and any overflow pieces >= P) out of bounds -> dropped
    piece = jnp.where(is_sep, P, piece_id)
    pos = jnp.where(is_sep, L, pos)
    b_idx = jnp.broadcast_to(jnp.arange(B, dtype=jnp.int32)[:, None], (B, L))
    padded = jnp.zeros((B, P, L), dtype=values.dtype).at[b_idx, piece, pos].set(values, mode='drop')
    lengths = jnp.zeros((B, P), dtype=jnp.int32).at[b_idx, piece].add((~is_sep).astype(jnp.int32), mode='drop')
    return padded, lengths

if __name__ == "__main__":
    import jax
    _d = setup_inputs()
    print(jax.jit(kernel)(*tuple(_d.values())))

</pallas_src>

<mosaic_0001>
#map = affine_map<(d0, d1) -> (0, 0)>
#map1 = affine_map<(d0, d1) -> (0)>
module attributes {stable_mosaic.version = 14 : i64} {
  func.func @_body(%arg0: i32, %arg1: i32, %arg2: memref<16x4096xi32, #tpu.memory_space<hbm>>, %arg3: memref<16x4096xf32, #tpu.memory_space<hbm>>, %arg4: memref<8388608xf32, #tpu.memory_space<hbm>>, %arg5: memref<2048xi32, #tpu.memory_space<hbm>>, %arg6: memref<2048xi32, #tpu.memory_space<vmem>>, %arg7: memref<2048xf32, #tpu.memory_space<vmem>>, %arg8: memref<2048xi32, #tpu.memory_space<vmem>>, %arg9: memref<16x128xi32, #tpu.memory_space<vmem>>, %arg10: memref<16x128xf32, #tpu.memory_space<vmem>>, %arg11: memref<128xi32, #tpu.memory_space<vmem>>, %arg12: memref<128xi32, #tpu.memory_space<vmem>>, %arg13: memref<8192xf32, #tpu.memory_space<vmem>>, %arg14: memref<8x128xi32, #tpu.memory_space<vmem_shared>>, %arg15: memref<!tpu.dma_semaphore, #tpu.memory_space<semaphore_mem>>, %arg16: memref<!tpu.dma_semaphore, #tpu.memory_space<semaphore_mem>>) attributes {dimension_semantics = [#tpu.dimension_semantics<core_parallel>, #tpu.dimension_semantics<subcore_parallel>], iteration_bounds = array<i64: 2, 16>, scalar_prefetch = 0 : i64, scratch_operands = 11 : i64, tpu.core_type = #tpu.core_type<sc_vector_subcore>, window_params = [{transform_indices = #map}, {transform_indices = #map}, {transform_indices = #map1}, {transform_indices = #map1}]} {
    %mul3A = arith.constant 16 : i32
    %mul3A_0 = arith.muli %arg0, %mul3A : i32
    %add3A = arith.addi %mul3A_0, %arg1 : i32
    %jit3A = arith.constant 2 : i32
    %div3A = arith.divsi %add3A, %jit3A : i32
    %sign3A = arith.constant 0 : i32
    %sign3A_1 = arith.cmpi sgt, %add3A, %sign3A : i32
    %sign3A_2 = arith.extui %sign3A_1 : i1 to i32
    %sign3A_3 = arith.constant 0 : i32
    %sign3A_4 = arith.cmpi slt, %add3A, %sign3A_3 : i32
    %sign3A_5 = arith.extui %sign3A_4 : i1 to i32
    %sign3A_6 = arith.subi %sign3A_2, %sign3A_5 : i32
    %sign3A_7 = arith.constant 0 : i32
    %sign3A_8 = arith.cmpi sgt, %jit3A, %sign3A_7 : i32
    %sign3A_9 = arith.extui %sign3A_8 : i1 to i32
    %sign3A_10 = arith.constant 0 : i32
    %sign3A_11 = arith.cmpi slt, %jit3A, %sign3A_10 : i32
    %sign3A_12 = arith.extui %sign3A_11 : i1 to i32
    %sign3A_13 = arith.subi %sign3A_9, %sign3A_12 : i32
    %ne3A = arith.cmpi ne, %sign3A_6, %sign3A_13 : i32
    %rem3A = arith.remsi %add3A, %jit3A : i32
    %ne3A_14 = arith.constant 0 : i32
    %ne3A_15 = arith.cmpi ne, %rem3A, %ne3A_14 : i32
    %and3A = arith.andi %ne3A, %ne3A_15 : i1
    %sub3A = arith.constant 1 : i32
    %sub3A_16 = arith.subi %div3A, %sub3A : i32
    %select_n3A = arith.select %and3A, %sub3A_16, %div3A : i32
    %jit3A_17 = arith.constant 2 : i32
    %eq3A = arith.constant 0 : i32
    %eq3A_18 = arith.cmpi eq, %jit3A_17, %eq3A : i32
    %jit3A_19 = arith.constant 1 : i32
    %select_n3A_20 = arith.select %eq3A_18, %jit3A_19, %jit3A_17 : i32
    %rem3A_21 = arith.remsi %arg1, %select_n3A_20 : i32
    %ne3A_22 = arith.constant 0 : i32
    %ne3A_23 = arith.cmpi ne, %rem3A_21, %ne3A_22 : i32
    %lt3A = arith.constant 0 : i32
    %lt3A_24 = arith.cmpi slt, %rem3A_21, %lt3A : i32
    %lt3A_25 = arith.constant 0 : i32
    %lt3A_26 = arith.cmpi slt, %select_n3A_20, %lt3A_25 : i32
    %ne3A_27 = arith.xori %lt3A_24, %lt3A_26 : i1
    %and3A_28 = arith.andi %ne3A_27, %ne3A_23 : i1
    %add3A_29 = arith.addi %rem3A_21, %select_n3A_20 : i32
    %select_n3A_30 = arith.select %and3A_28, %add3A_29, %rem3A_21 : i32
    %jit3A_31 = arith.constant 2 : i32
    %div3A_32 = arith.divsi %arg1, %jit3A_31 : i32
    %sign3A_33 = arith.constant 0 : i32
    %sign3A_34 = arith.cmpi sgt, %arg1, %sign3A_33 : i32
    %sign3A_35 = arith.extui %sign3A_34 : i1 to i32
    %sign3A_36 = arith.constant 0 : i32
    %sign3A_37 = arith.cmpi slt, %arg1, %sign3A_36 : i32
    %sign3A_38 = arith.extui %sign3A_37 : i1 to i32
    %sign3A_39 = arith.subi %sign3A_35, %sign3A_38 : i32
    %sign3A_40 = arith.constant 0 : i32
    %sign3A_41 = arith.cmpi sgt, %jit3A_31, %sign3A_40 : i32
    %sign3A_42 = arith.extui %sign3A_41 : i1 to i32
    %sign3A_43 = arith.constant 0 : i32
    %sign3A_44 = arith.cmpi slt, %jit3A_31, %sign3A_43 : i32
    %sign3A_45 = arith.extui %sign3A_44 : i1 to i32
    %sign3A_46 = arith.subi %sign3A_42, %sign3A_45 : i32
    %ne3A_47 = arith.cmpi ne, %sign3A_39, %sign3A_46 : i32
    %rem3A_48 = arith.remsi %arg1, %jit3A_31 : i32
    %ne3A_49 = arith.constant 0 : i32
    %ne3A_50 = arith.cmpi ne, %rem3A_48, %ne3A_49 : i32
    %and3A_51 = arith.andi %ne3A_47, %ne3A_50 : i1
    %sub3A_52 = arith.constant 1 : i32
    %sub3A_53 = arith.subi %div3A_32, %sub3A_52 : i32
    %select_n3A_54 = arith.select %and3A_51, %sub3A_53, %div3A_32 : i32
    %mul3A_55 = arith.constant 4096 : i32
    %mul3A_56 = arith.muli %select_n3A, %mul3A_55 : i32
    %mul3A_57 = arith.constant 524288 : i32
    %mul3A_58 = arith.muli %select_n3A, %mul3A_57 : i32
    %add3A_59 = arith.constant 524288 : i32
    %add3A_60 = arith.addi %mul3A_58, %add3A_59 : i32
    %sub3A_61 = arith.constant 1 : i32
    %sub3A_62 = arith.subi %add3A_60, %sub3A_61 : i32
    %eq3A_63 = arith.constant 1 : i32
    "tpu.trace_start"() <{level = 10 : i32, message = "p1_stage"}> : () -> ()
    %eq3A_64 = arith.cmpi eq, %select_n3A_30, %eq3A_63 : i32
    %convert_element_type3A = arith.extui %eq3A_64 : i1 to i32
    %cond3A = arith.constant 0 : i32
    %cond3A_65 = arith.cmpi ne, %convert_element_type3A, %cond3A : i32
    scf.if %cond3A_65 {
      "tpu.region"() ({
        %run_scoped3A = tpu.sem_alloc : memref<!tpu.dma_semaphore, #tpu.memory_space<semaphore_mem>>
        %dma_start3A_702 = arith.constant 0 : i32
        %dma_start3A_703 = tpu.memref_slice %arg2[%select_n3A, %dma_start3A_702] : memref<16x4096xi32, #tpu.memory_space<hbm>> -> memref<1x2048xi32, #tpu.memory_space<hbm>>
        %dma_start3A_704 = tpu.memref_squeeze %dma_start3A_703 : memref<1x2048xi32, #tpu.memory_space<hbm>> -> memref<2048xi32, #tpu.memory_space<hbm>>
        %dma_start3A_705 = arith.constant 0 : i32
        %dma_start3A_706 = tpu.memref_slice %arg2[%select_n3A, %dma_start3A_705] : memref<16x4096xi32, #tpu.memory_space<hbm>> -> memref<1x2048xi32, #tpu.memory_space<hbm>>
        %dma_start3A_707 = tpu.memref_squeeze %dma_start3A_706 : memref<1x2048xi32, #tpu.memory_space<hbm>> -> memref<2048xi32, #tpu.memory_space<hbm>>
        tpu.enqueue_dma source(%dma_start3A_707 : memref<2048xi32, #tpu.memory_space<hbm>>) target(%arg8 : memref<2048xi32, #tpu.memory_space<vmem>>) target_semaphore(%run_scoped3A : memref<!tpu.dma_semaphore, #tpu.memory_space<semaphore_mem>>)
        %dma_wait3A_708 = arith.constant 0 : i32
        %dma_wait3A_709 = tpu.memref_slice %arg2[%select_n3A, %dma_wait3A_708] : memref<16x4096xi32, #tpu.memory_space<hbm>> -> memref<1x2048xi32, #tpu.memory_space<hbm>>
        %dma_wait3A_710 = tpu.memref_squeeze %dma_wait3A_709 : memref<1x2048xi32, #tpu.memory_space<hbm>> -> memref<2048xi32, #tpu.memory_space<hbm>>
        %dma_wait3A_711 = arith.constant 0 : i32
        %dma_wait3A_712 = tpu.memref_slice %arg2[%select_n3A, %dma_wait3A_711] : memref<16x4096xi32, #tpu.memory_space<hbm>> -> memref<1x2048xi32, #tpu.memory_space<hbm>>
        %dma_wait3A_713 = tpu.memref_squeeze %dma_wait3A_712 : memref<1x2048xi32, #tpu.memory_space<hbm>> -> memref<2048xi32, #tpu.memory_space<hbm>>
        tpu.wait_dma2 semaphore(%run_scoped3A : memref<!tpu.dma_semaphore, #tpu.memory_space<semaphore_mem>>) src(%dma_wait3A_713 : memref<2048xi32, #tpu.memory_space<hbm>>) dst(%arg8 : memref<2048xi32, #tpu.memory_space<vmem>>)
        tpu.yield
      }) : () -> ()
    } else {
    }
    %mul3A_66 = arith.constant 2048 : i32
    %mul3A_67 = arith.muli %select_n3A_30, %mul3A_66 : i32
    "tpu.region"() ({
      %run_scoped3A = tpu.sem_alloc : memref<!tpu.dma_semaphore, #tpu.memory_space<semaphore_mem>>
      %dma_start3A_702 = tpu.memref_slice %arg2[%select_n3A, %mul3A_67] : memref<16x4096xi32, #tpu.memory_space<hbm>> -> memref<1x2048xi32, #tpu.memory_space<hbm>>
      %dma_start3A_703 = tpu.memref_squeeze %dma_start3A_702 : memref<1x2048xi32, #tpu.memory_space<hbm>> -> memref<2048xi32, #tpu.memory_space<hbm>>
      %dma_start3A_704 = tpu.memref_slice %arg2[%select_n3A, %mul3A_67] : memref<16x4096xi32, #tpu.memory_space<hbm>> -> memref<1x2048xi32, #tpu.memory_space<hbm>>
      %dma_start3A_705 = tpu.memref_squeeze %dma_start3A_704 : memref<1x2048xi32, #tpu.memory_space<hbm>> -> memref<2048xi32, #tpu.memory_space<hbm>>
      tpu.enqueue_dma source(%dma_start3A_705 : memref<2048xi32, #tpu.memory_space<hbm>>) target(%arg6 : memref<2048xi32, #tpu.memory_space<vmem>>) target_semaphore(%run_scoped3A : memref<!tpu.dma_semaphore, #tpu.memory_space<semaphore_mem>>)
      %dma_wait3A_706 = tpu.memref_slice %arg2[%select_n3A, %mul3A_67] : memref<16x4096xi32, #tpu.memory_space<hbm>> -> memref<1x2048xi32, #tpu.memory_space<hbm>>
      %dma_wait3A_707 = tpu.memref_squeeze %dma_wait3A_706 : memref<1x2048xi32, #tpu.memory_space<hbm>> -> memref<2048xi32, #tpu.memory_space<hbm>>
      %dma_wait3A_708 = tpu.memref_slice %arg2[%select_n3A, %mul3A_67] : memref<16x4096xi32, #tpu.memory_space<hbm>> -> memref<1x2048xi32, #tpu.memory_space<hbm>>
      %dma_wait3A_709 = tpu.memref_squeeze %dma_wait3A_708 : memref<1x2048xi32, #tpu.memory_space<hbm>> -> memref<2048xi32, #tpu.memory_space<hbm>>
      tpu.wait_dma2 semaphore(%run_scoped3A : memref<!tpu.dma_semaphore, #tpu.memory_space<semaphore_mem>>) src(%dma_wait3A_709 : memref<2048xi32, #tpu.memory_space<hbm>>) dst(%arg6 : memref<2048xi32, #tpu.memory_space<vmem>>)
      tpu.yield
    }) : () -> ()
    %mul3A_68 = arith.constant 2048 : i32
    %mul3A_69 = arith.muli %select_n3A_30, %mul3A_68 : i32
    "tpu.region"() ({
      %run_scoped3A = tpu.sem_alloc : memref<!tpu.dma_semaphore, #tpu.memory_space<semaphore_mem>>
      %dma_start3A_702 = tpu.memref_slice %arg3[%select_n3A, %mul3A_69] : memref<16x4096xf32, #tpu.memory_space<hbm>> -> memref<1x2048xf32, #tpu.memory_space<hbm>>
      %dma_start3A_703 = tpu.memref_squeeze %dma_start3A_702 : memref<1x2048xf32, #tpu.memory_space<hbm>> -> memref<2048xf32, #tpu.memory_space<hbm>>
      %dma_start3A_704 = tpu.memref_slice %arg3[%select_n3A, %mul3A_69] : memref<16x4096xf32, #tpu.memory_space<hbm>> -> memref<1x2048xf32, #tpu.memory_space<hbm>>
      %dma_start3A_705 = tpu.memref_squeeze %dma_start3A_704 : memref<1x2048xf32, #tpu.memory_space<hbm>> -> memref<2048xf32, #tpu.memory_space<hbm>>
      tpu.enqueue_dma source(%dma_start3A_705 : memref<2048xf32, #tpu.memory_space<hbm>>) target(%arg7 : memref<2048xf32, #tpu.memory_space<vmem>>) target_semaphore(%run_scoped3A : memref<!tpu.dma_semaphore, #tpu.memory_space<semaphore_mem>>)
      %dma_wait3A_706 = tpu.memref_slice %arg3[%select_n3A, %mul3A_69] : memref<16x4096xf32, #tpu.memory_space<hbm>> -> memref<1x2048xf32, #tpu.memory_space<hbm>>
      %dma_wait3A_707 = tpu.memref_squeeze %dma_wait3A_706 : memref<1x2048xf32, #tpu.memory_space<hbm>> -> memref<2048xf32, #tpu.memory_space<hbm>>
      %dma_wait3A_708 = tpu.memref_slice %arg3[%select_n3A, %mul3A_69] : memref<16x4096xf32, #tpu.memory_space<hbm>> -> memref<1x2048xf32, #tpu.memory_space<hbm>>
      %dma_wait3A_709 = tpu.memref_squeeze %dma_wait3A_708 : memref<1x2048xf32, #tpu.memory_space<hbm>> -> memref<2048xf32, #tpu.memory_space<hbm>>
      tpu.wait_dma2 semaphore(%run_scoped3A : memref<!tpu.dma_semaphore, #tpu.memory_space<semaphore_mem>>) src(%dma_wait3A_709 : memref<2048xf32, #tpu.memory_space<hbm>>) dst(%arg7 : memref<2048xf32, #tpu.memory_space<vmem>>)
      tpu.yield
    }) : () -> ()
    %broadcast_in_dim3A = arith.constant 0.000000e+00 : f32
    "tpu.trace_stop"() : () -> ()
    %broadcast_in_dim3A_70 = vector.broadcast %broadcast_in_dim3A : f32 to vector<16xf32>
    %broadcast_in_dim3A_71 = arith.constant 0 : i32
    %broadcast_in_dim3A_72 = vector.broadcast %broadcast_in_dim3A_71 : i32 to vector<16xi32>
    "tpu.trace_start"() <{level = 10 : i32, message = "p2_zfill"}> : () -> ()
    %scan3A = arith.constant 0 : i32
    %scan3A_73 = arith.constant 0 : i32
    %scan3A_74 = arith.constant 512 : i32
    %scan3A_75 = arith.addi %scan3A_73, %scan3A_74 : i32
    %scan3A_76 = arith.constant 1 : i32
    scf.for %scan3A_702 = %scan3A_73 to %scan3A_75 step %scan3A_76  : i32 {
      %mul3A_703 = arith.constant 16 : i32
      %mul3A_704 = arith.muli %scan3A_702, %mul3A_703 : i32
      %swap3A_705 = arith.index_cast %mul3A_704 : i32 to index
      %swap3A_706 = tpu.vector_load %arg13[%swap3A_705] {strides = array<i32>} : memref<8192xf32, #tpu.memory_space<vmem>>, vector<16xf32>,
      tpu.vector_store %arg13[%swap3A_705], %broadcast_in_dim3A_70 {strides = array<i32>} : memref<8192xf32, #tpu.memory_space<vmem>>, vector<16xf32>,
    }
    %scan3A_77 = arith.constant 512 : i32
    %swap3A = arith.constant 0 : index
    %swap3A_78 = tpu.vector_load %arg11[%swap3A] {strides = array<i32>} : memref<128xi32, #tpu.memory_space<vmem>>, vector<16xi32>,
    tpu.vector_store %arg11[%swap3A], %broadcast_in_dim3A_72 {strides = array<i32>} : memref<128xi32, #tpu.memory_space<vmem>>, vector<16xi32>,
    %swap3A_79 = arith.constant 16 : index
    %swap3A_80 = tpu.vector_load %arg11[%swap3A_79] {strides = array<i32>} : memref<128xi32, #tpu.memory_space<vmem>>, vector<16xi32>,
    tpu.vector_store %arg11[%swap3A_79], %broadcast_in_dim3A_72 {strides = array<i32>} : memref<128xi32, #tpu.memory_space<vmem>>, vector<16xi32>,
    %swap3A_81 = arith.constant 32 : index
    %swap3A_82 = tpu.vector_load %arg11[%swap3A_81] {strides = array<i32>} : memref<128xi32, #tpu.memory_space<vmem>>, vector<16xi32>,
    tpu.vector_store %arg11[%swap3A_81], %broadcast_in_dim3A_72 {strides = array<i32>} : memref<128xi32, #tpu.memory_space<vmem>>, vector<16xi32>,
    %swap3A_83 = arith.constant 48 : index
    %swap3A_84 = tpu.vector_load %arg11[%swap3A_83] {strides = array<i32>} : memref<128xi32, #tpu.memory_space<vmem>>, vector<16xi32>,
    tpu.vector_store %arg11[%swap3A_83], %broadcast_in_dim3A_72 {strides = array<i32>} : memref<128xi32, #tpu.memory_space<vmem>>, vector<16xi32>,
    %swap3A_85 = arith.constant 64 : index
    %swap3A_86 = tpu.vector_load %arg11[%swap3A_85] {strides = array<i32>} : memref<128xi32, #tpu.memory_space<vmem>>, vector<16xi32>,
    tpu.vector_store %arg11[%swap3A_85], %broadcast_in_dim3A_72 {strides = array<i32>} : memref<128xi32, #tpu.memory_space<vmem>>, vector<16xi32>,
    %swap3A_87 = arith.constant 80 : index
    %swap3A_88 = tpu.vector_load %arg11[%swap3A_87] {strides = array<i32>} : memref<128xi32, #tpu.memory_space<vmem>>, vector<16xi32>,
    tpu.vector_store %arg11[%swap3A_87], %broadcast_in_dim3A_72 {strides = array<i32>} : memref<128xi32, #tpu.memory_space<vmem>>, vector<16xi32>,
    %swap3A_89 = arith.constant 96 : index
    %swap3A_90 = tpu.vector_load %arg11[%swap3A_89] {strides = array<i32>} : memref<128xi32, #tpu.memory_space<vmem>>, vector<16xi32>,
    tpu.vector_store %arg11[%swap3A_89], %broadcast_in_dim3A_72 {strides = array<i32>} : memref<128xi32, #tpu.memory_space<vmem>>, vector<16xi32>,
    %swap3A_91 = arith.constant 112 : index
    %swap3A_92 = tpu.vector_load %arg11[%swap3A_91] {strides = array<i32>} : memref<128xi32, #tpu.memory_space<vmem>>, vector<16xi32>,
    tpu.vector_store %arg11[%swap3A_91], %broadcast_in_dim3A_72 {strides = array<i32>} : memref<128xi32, #tpu.memory_space<vmem>>, vector<16xi32>,
    %mul3A_93 = arith.constant 262144 : i32
    %mul3A_94 = arith.muli %add3A, %mul3A_93 : i32
    %add3A_95 = arith.constant 0 : i32
    %add3A_96 = arith.addi %mul3A_94, %add3A_95 : i32
    %dma_start3A = tpu.memref_slice %arg4[%add3A_96] : memref<8388608xf32, #tpu.memory_space<hbm>> -> memref<8192xf32, #tpu.memory_space<hbm>>
    %dma_start3A_97 = tpu.memref_slice %arg4[%add3A_96] : memref<8388608xf32, #tpu.memory_space<hbm>> -> memref<8192xf32, #tpu.memory_space<hbm>>
    tpu.enqueue_dma source(%arg13 : memref<8192xf32, #tpu.memory_space<vmem>>) target(%dma_start3A_97 : memref<8192xf32, #tpu.memory_space<hbm>>) target_semaphore(%arg15 : memref<!tpu.dma_semaphore, #tpu.memory_space<semaphore_mem>>)
    %mul3A_98 = arith.constant 262144 : i32
    %mul3A_99 = arith.muli %add3A, %mul3A_98 : i32
    %add3A_100 = arith.constant 8192 : i32
    %add3A_101 = arith.addi %mul3A_99, %add3A_100 : i32
    %dma_start3A_102 = tpu.memref_slice %arg4[%add3A_101] : memref<8388608xf32, #tpu.memory_space<hbm>> -> memref<8192xf32, #tpu.memory_space<hbm>>
    %dma_start3A_103 = tpu.memref_slice %arg4[%add3A_101] : memref<8388608xf32, #tpu.memory_space<hbm>> -> memref<8192xf32, #tpu.memory_space<hbm>>
    tpu.enqueue_dma source(%arg13 : memref<8192xf32, #tpu.memory_space<vmem>>) target(%dma_start3A_103 : memref<8192xf32, #tpu.memory_space<hbm>>) target_semaphore(%arg15 : memref<!tpu.dma_semaphore, #tpu.memory_space<semaphore_mem>>)
    %mul3A_104 = arith.constant 262144 : i32
    %mul3A_105 = arith.muli %add3A, %mul3A_104 : i32
    %add3A_106 = arith.constant 16384 : i32
    %add3A_107 = arith.addi %mul3A_105, %add3A_106 : i32
    %dma_start3A_108 = tpu.memref_slice %arg4[%add3A_107] : memref<8388608xf32, #tpu.memory_space<hbm>> -> memref<8192xf32, #tpu.memory_space<hbm>>
    %dma_start3A_109 = tpu.memref_slice %arg4[%add3A_107] : memref<8388608xf32, #tpu.memory_space<hbm>> -> memref<8192xf32, #tpu.memory_space<hbm>>
    tpu.enqueue_dma source(%arg13 : memref<8192xf32, #tpu.memory_space<vmem>>) target(%dma_start3A_109 : memref<8192xf32, #tpu.memory_space<hbm>>) target_semaphore(%arg15 : memref<!tpu.dma_semaphore, #tpu.memory_space<semaphore_mem>>)
    %mul3A_110 = arith.constant 262144 : i32
    %mul3A_111 = arith.muli %add3A, %mul3A_110 : i32
    %add3A_112 = arith.constant 24576 : i32
    %add3A_113 = arith.addi %mul3A_111, %add3A_112 : i32
    %dma_start3A_114 = tpu.memref_slice %arg4[%add3A_113] : memref<8388608xf32, #tpu.memory_space<hbm>> -> memref<8192xf32, #tpu.memory_space<hbm>>
    %dma_start3A_115 = tpu.memref_slice %arg4[%add3A_113] : memref<8388608xf32, #tpu.memory_space<hbm>> -> memref<8192xf32, #tpu.memory_space<hbm>>
    tpu.enqueue_dma source(%arg13 : memref<8192xf32, #tpu.memory_space<vmem>>) target(%dma_start3A_115 : memref<8192xf32, #tpu.memory_space<hbm>>) target_semaphore(%arg15 : memref<!tpu.dma_semaphore, #tpu.memory_space<semaphore_mem>>)
    %mul3A_116 = arith.constant 262144 : i32
    %mul3A_117 = arith.muli %add3A, %mul3A_116 : i32
    %add3A_118 = arith.constant 32768 : i32
    %add3A_119 = arith.addi %mul3A_117, %add3A_118 : i32
    %dma_start3A_120 = tpu.memref_slice %arg4[%add3A_119] : memref<8388608xf32, #tpu.memory_space<hbm>> -> memref<8192xf32, #tpu.memory_space<hbm>>
    %dma_start3A_121 = tpu.memref_slice %arg4[%add3A_119] : memref<8388608xf32, #tpu.memory_space<hbm>> -> memref<8192xf32, #tpu.memory_space<hbm>>
    tpu.enqueue_dma source(%arg13 : memref<8192xf32, #tpu.memory_space<vmem>>) target(%dma_start3A_121 : memref<8192xf32, #tpu.memory_space<hbm>>) target_semaphore(%arg15 : memref<!tpu.dma_semaphore, #tpu.memory_space<semaphore_mem>>)
    %mul3A_122 = arith.constant 262144 : i32
    %mul3A_123 = arith.muli %add3A, %mul3A_122 : i32
    %add3A_124 = arith.constant 40960 : i32
    %add3A_125 = arith.addi %mul3A_123, %add3A_124 : i32
    %dma_start3A_126 = tpu.memref_slice %arg4[%add3A_125] : memref<8388608xf32, #tpu.memory_space<hbm>> -> memref<8192xf32, #tpu.memory_space<hbm>>
    %dma_start3A_127 = tpu.memref_slice %arg4[%add3A_125] : memref<8388608xf32, #tpu.memory_space<hbm>> -> memref<8192xf32, #tpu.memory_space<hbm>>
    tpu.enqueue_dma source(%arg13 : memref<8192xf32, #tpu.memory_space<vmem>>) target(%dma_start3A_127 : memref<8192xf32, #tpu.memory_space<hbm>>) target_semaphore(%arg15 : memref<!tpu.dma_semaphore, #tpu.memory_space<semaphore_mem>>)
    %mul3A_128 = arith.constant 262144 : i32
    %mul3A_129 = arith.muli %add3A, %mul3A_128 : i32
    %add3A_130 = arith.constant 49152 : i32
    %add3A_131 = arith.addi %mul3A_129, %add3A_130 : i32
    %dma_start3A_132 = tpu.memref_slice %arg4[%add3A_131] : memref<8388608xf32, #tpu.memory_space<hbm>> -> memref<8192xf32, #tpu.memory_space<hbm>>
    %dma_start3A_133 = tpu.memref_slice %arg4[%add3A_131] : memref<8388608xf32, #tpu.memory_space<hbm>> -> memref<8192xf32, #tpu.memory_space<hbm>>
    tpu.enqueue_dma source(%arg13 : memref<8192xf32, #tpu.memory_space<vmem>>) target(%dma_start3A_133 : memref<8192xf32, #tpu.memory_space<hbm>>) target_semaphore(%arg15 : memref<!tpu.dma_semaphore, #tpu.memory_space<semaphore_mem>>)
    %mul3A_134 = arith.constant 262144 : i32
    %mul3A_135 = arith.muli %add3A, %mul3A_134 : i32
    %add3A_136 = arith.constant 57344 : i32
    %add3A_137 = arith.addi %mul3A_135, %add3A_136 : i32
    %dma_start3A_138 = tpu.memref_slice %arg4[%add3A_137] : memref<8388608xf32, #tpu.memory_space<hbm>> -> memref<8192xf32, #tpu.memory_space<hbm>>
    %dma_start3A_139 = tpu.memref_slice %arg4[%add3A_137] : memref<8388608xf32, #tpu.memory_space<hbm>> -> memref<8192xf32, #tpu.memory_space<hbm>>
    tpu.enqueue_dma source(%arg13 : memref<8192xf32, #tpu.memory_space<vmem>>) target(%dma_start3A_139 : memref<8192xf32, #tpu.memory_space<hbm>>) target_semaphore(%arg15 : memref<!tpu.dma_semaphore, #tpu.memory_space<semaphore_mem>>)
    %mul3A_140 = arith.constant 262144 : i32
    %mul3A_141 = arith.muli %add3A, %mul3A_140 : i32
    %add3A_142 = arith.constant 65536 : i32
    %add3A_143 = arith.addi %mul3A_141, %add3A_142 : i32
    %dma_start3A_144 = tpu.memref_slice %arg4[%add3A_143] : memref<8388608xf32, #tpu.memory_space<hbm>> -> memref<8192xf32, #tpu.memory_space<hbm>>
    %dma_start3A_145 = tpu.memref_slice %arg4[%add3A_143] : memref<8388608xf32, #tpu.memory_space<hbm>> -> memref<8192xf32, #tpu.memory_space<hbm>>
    tpu.enqueue_dma source(%arg13 : memref<8192xf32, #tpu.memory_space<vmem>>) target(%dma_start3A_145 : memref<8192xf32, #tpu.memory_space<hbm>>) target_semaphore(%arg15 : memref<!tpu.dma_semaphore, #tpu.memory_space<semaphore_mem>>)
    %mul3A_146 = arith.constant 262144 : i32
    %mul3A_147 = arith.muli %add3A, %mul3A_146 : i32
    %add3A_148 = arith.constant 73728 : i32
    %add3A_149 = arith.addi %mul3A_147, %add3A_148 : i32
    %dma_start3A_150 = tpu.memref_slice %arg4[%add3A_149] : memref<8388608xf32, #tpu.memory_space<hbm>> -> memref<8192xf32, #tpu.memory_space<hbm>>
    %dma_start3A_151 = tpu.memref_slice %arg4[%add3A_149] : memref<8388608xf32, #tpu.memory_space<hbm>> -> memref<8192xf32, #tpu.memory_space<hbm>>
    tpu.enqueue_dma source(%arg13 : memref<8192xf32, #tpu.memory_space<vmem>>) target(%dma_start3A_151 : memref<8192xf32, #tpu.memory_space<hbm>>) target_semaphore(%arg15 : memref<!tpu.dma_semaphore, #tpu.memory_space<semaphore_mem>>)
    %mul3A_152 = arith.constant 262144 : i32
    %mul3A_153 = arith.muli %add3A, %mul3A_152 : i32
    %add3A_154 = arith.constant 81920 : i32
    %add3A_155 = arith.addi %mul3A_153, %add3A_154 : i32
    %dma_start3A_156 = tpu.memref_slice %arg4[%add3A_155] : memref<8388608xf32, #tpu.memory_space<hbm>> -> memref<8192xf32, #tpu.memory_space<hbm>>
    %dma_start3A_157 = tpu.memref_slice %arg4[%add3A_155] : memref<8388608xf32, #tpu.memory_space<hbm>> -> memref<8192xf32, #tpu.memory_space<hbm>>
    tpu.enqueue_dma source(%arg13 : memref<8192xf32, #tpu.memory_space<vmem>>) target(%dma_start3A_157 : memref<8192xf32, #tpu.memory_space<hbm>>) target_semaphore(%arg15 : memref<!tpu.dma_semaphore, #tpu.memory_space<semaphore_mem>>)
    %mul3A_158 = arith.constant 262144 : i32
    %mul3A_159 = arith.muli %add3A, %mul3A_158 : i32
    %add3A_160 = arith.constant 90112 : i32
    %add3A_161 = arith.addi %mul3A_159, %add3A_160 : i32
    %dma_start3A_162 = tpu.memref_slice %arg4[%add3A_161] : memref<8388608xf32, #tpu.memory_space<hbm>> -> memref<8192xf32, #tpu.memory_space<hbm>>
    %dma_start3A_163 = tpu.memref_slice %arg4[%add3A_161] : memref<8388608xf32, #tpu.memory_space<hbm>> -> memref<8192xf32, #tpu.memory_space<hbm>>
    tpu.enqueue_dma source(%arg13 : memref<8192xf32, #tpu.memory_space<vmem>>) target(%dma_start3A_163 : memref<8192xf32, #tpu.memory_space<hbm>>) target_semaphore(%arg15 : memref<!tpu.dma_semaphore, #tpu.memory_space<semaphore_mem>>)
    %mul3A_164 = arith.constant 262144 : i32
    %mul3A_165 = arith.muli %add3A, %mul3A_164 : i32
    %add3A_166 = arith.constant 98304 : i32
    %add3A_167 = arith.addi %mul3A_165, %add3A_166 : i32
    %dma_start3A_168 = tpu.memref_slice %arg4[%add3A_167] : memref<8388608xf32, #tpu.memory_space<hbm>> -> memref<8192xf32, #tpu.memory_space<hbm>>
    %dma_start3A_169 = tpu.memref_slice %arg4[%add3A_167] : memref<8388608xf32, #tpu.memory_space<hbm>> -> memref<8192xf32, #tpu.memory_space<hbm>>
    tpu.enqueue_dma source(%arg13 : memref<8192xf32, #tpu.memory_space<vmem>>) target(%dma_start3A_169 : memref<8192xf32, #tpu.memory_space<hbm>>) target_semaphore(%arg15 : memref<!tpu.dma_semaphore, #tpu.memory_space<semaphore_mem>>)
    %mul3A_170 = arith.constant 262144 : i32
    %mul3A_171 = arith.muli %add3A, %mul3A_170 : i32
    %add3A_172 = arith.constant 106496 : i32
    %add3A_173 = arith.addi %mul3A_171, %add3A_172 : i32
    %dma_start3A_174 = tpu.memref_slice %arg4[%add3A_173] : memref<8388608xf32, #tpu.memory_space<hbm>> -> memref<8192xf32, #tpu.memory_space<hbm>>
    %dma_start3A_175 = tpu.memref_slice %arg4[%add3A_173] : memref<8388608xf32, #tpu.memory_space<hbm>> -> memref<8192xf32, #tpu.memory_space<hbm>>
    tpu.enqueue_dma source(%arg13 : memref<8192xf32, #tpu.memory_space<vmem>>) target(%dma_start3A_175 : memref<8192xf32, #tpu.memory_space<hbm>>) target_semaphore(%arg15 : memref<!tpu.dma_semaphore, #tpu.memory_space<semaphore_mem>>)
    %mul3A_176 = arith.constant 262144 : i32
    %mul3A_177 = arith.muli %add3A, %mul3A_176 : i32
    %add3A_178 = arith.constant 114688 : i32
    %add3A_179 = arith.addi %mul3A_177, %add3A_178 : i32
    %dma_start3A_180 = tpu.memref_slice %arg4[%add3A_179] : memref<8388608xf32, #tpu.memory_space<hbm>> -> memref<8192xf32, #tpu.memory_space<hbm>>
    %dma_start3A_181 = tpu.memref_slice %arg4[%add3A_179] : memref<8388608xf32, #tpu.memory_space<hbm>> -> memref<8192xf32, #tpu.memory_space<hbm>>
    tpu.enqueue_dma source(%arg13 : memref<8192xf32, #tpu.memory_space<vmem>>) target(%dma_start3A_181 : memref<8192xf32, #tpu.memory_space<hbm>>) target_semaphore(%arg15 : memref<!tpu.dma_semaphore, #tpu.memory_space<semaphore_mem>>)
    %mul3A_182 = arith.constant 262144 : i32
    %mul3A_183 = arith.muli %add3A, %mul3A_182 : i32
    %add3A_184 = arith.constant 122880 : i32
    %add3A_185 = arith.addi %mul3A_183, %add3A_184 : i32
    %dma_start3A_186 = tpu.memref_slice %arg4[%add3A_185] : memref<8388608xf32, #tpu.memory_space<hbm>> -> memref<8192xf32, #tpu.memory_space<hbm>>
    %dma_start3A_187 = tpu.memref_slice %arg4[%add3A_185] : memref<8388608xf32, #tpu.memory_space<hbm>> -> memref<8192xf32, #tpu.memory_space<hbm>>
    tpu.enqueue_dma source(%arg13 : memref<8192xf32, #tpu.memory_space<vmem>>) target(%dma_start3A_187 : memref<8192xf32, #tpu.memory_space<hbm>>) target_semaphore(%arg15 : memref<!tpu.dma_semaphore, #tpu.memory_space<semaphore_mem>>)
    %mul3A_188 = arith.constant 262144 : i32
    %mul3A_189 = arith.muli %add3A, %mul3A_188 : i32
    %add3A_190 = arith.constant 131072 : i32
    %add3A_191 = arith.addi %mul3A_189, %add3A_190 : i32
    %dma_start3A_192 = tpu.memref_slice %arg4[%add3A_191] : memref<8388608xf32, #tpu.memory_space<hbm>> -> memref<8192xf32, #tpu.memory_space<hbm>>
    %dma_start3A_193 = tpu.memref_slice %arg4[%add3A_191] : memref<8388608xf32, #tpu.memory_space<hbm>> -> memref<8192xf32, #tpu.memory_space<hbm>>
    tpu.enqueue_dma source(%arg13 : memref<8192xf32, #tpu.memory_space<vmem>>) target(%dma_start3A_193 : memref<8192xf32, #tpu.memory_space<hbm>>) target_semaphore(%arg15 : memref<!tpu.dma_semaphore, #tpu.memory_space<semaphore_mem>>)
    %mul3A_194 = arith.constant 262144 : i32
    %mul3A_195 = arith.muli %add3A, %mul3A_194 : i32
    %add3A_196 = arith.constant 139264 : i32
    %add3A_197 = arith.addi %mul3A_195, %add3A_196 : i32
    %dma_start3A_198 = tpu.memref_slice %arg4[%add3A_197] : memref<8388608xf32, #tpu.memory_space<hbm>> -> memref<8192xf32, #tpu.memory_space<hbm>>
    %dma_start3A_199 = tpu.memref_slice %arg4[%add3A_197] : memref<8388608xf32, #tpu.memory_space<hbm>> -> memref<8192xf32, #tpu.memory_space<hbm>>
    tpu.enqueue_dma source(%arg13 : memref<8192xf32, #tpu.memory_space<vmem>>) target(%dma_start3A_199 : memref<8192xf32, #tpu.memory_space<hbm>>) target_semaphore(%arg15 : memref<!tpu.dma_semaphore, #tpu.memory_space<semaphore_mem>>)
    %mul3A_200 = arith.constant 262144 : i32
    %mul3A_201 = arith.muli %add3A, %mul3A_200 : i32
    %add3A_202 = arith.constant 147456 : i32
    %add3A_203 = arith.addi %mul3A_201, %add3A_202 : i32
    %dma_start3A_204 = tpu.memref_slice %arg4[%add3A_203] : memref<8388608xf32, #tpu.memory_space<hbm>> -> memref<8192xf32, #tpu.memory_space<hbm>>
    %dma_start3A_205 = tpu.memref_slice %arg4[%add3A_203] : memref<8388608xf32, #tpu.memory_space<hbm>> -> memref<8192xf32, #tpu.memory_space<hbm>>
    tpu.enqueue_dma source(%arg13 : memref<8192xf32, #tpu.memory_space<vmem>>) target(%dma_start3A_205 : memref<8192xf32, #tpu.memory_space<hbm>>) target_semaphore(%arg15 : memref<!tpu.dma_semaphore, #tpu.memory_space<semaphore_mem>>)
    %mul3A_206 = arith.constant 262144 : i32
    %mul3A_207 = arith.muli %add3A, %mul3A_206 : i32
    %add3A_208 = arith.constant 155648 : i32
    %add3A_209 = arith.addi %mul3A_207, %add3A_208 : i32
    %dma_start3A_210 = tpu.memref_slice %arg4[%add3A_209] : memref<8388608xf32, #tpu.memory_space<hbm>> -> memref<8192xf32, #tpu.memory_space<hbm>>
    %dma_start3A_211 = tpu.memref_slice %arg4[%add3A_209] : memref<8388608xf32, #tpu.memory_space<hbm>> -> memref<8192xf32, #tpu.memory_space<hbm>>
    tpu.enqueue_dma source(%arg13 : memref<8192xf32, #tpu.memory_space<vmem>>) target(%dma_start3A_211 : memref<8192xf32, #tpu.memory_space<hbm>>) target_semaphore(%arg15 : memref<!tpu.dma_semaphore, #tpu.memory_space<semaphore_mem>>)
    %mul3A_212 = arith.constant 262144 : i32
    %mul3A_213 = arith.muli %add3A, %mul3A_212 : i32
    %add3A_214 = arith.constant 163840 : i32
    %add3A_215 = arith.addi %mul3A_213, %add3A_214 : i32
    %dma_start3A_216 = tpu.memref_slice %arg4[%add3A_215] : memref<8388608xf32, #tpu.memory_space<hbm>> -> memref<8192xf32, #tpu.memory_space<hbm>>
    %dma_start3A_217 = tpu.memref_slice %arg4[%add3A_215] : memref<8388608xf32, #tpu.memory_space<hbm>> -> memref<8192xf32, #tpu.memory_space<hbm>>
    tpu.enqueue_dma source(%arg13 : memref<8192xf32, #tpu.memory_space<vmem>>) target(%dma_start3A_217 : memref<8192xf32, #tpu.memory_space<hbm>>) target_semaphore(%arg15 : memref<!tpu.dma_semaphore, #tpu.memory_space<semaphore_mem>>)
    %mul3A_218 = arith.constant 262144 : i32
    %mul3A_219 = arith.muli %add3A, %mul3A_218 : i32
    %add3A_220 = arith.constant 172032 : i32
    %add3A_221 = arith.addi %mul3A_219, %add3A_220 : i32
    %dma_start3A_222 = tpu.memref_slice %arg4[%add3A_221] : memref<8388608xf32, #tpu.memory_space<hbm>> -> memref<8192xf32, #tpu.memory_space<hbm>>
    %dma_start3A_223 = tpu.memref_slice %arg4[%add3A_221] : memref<8388608xf32, #tpu.memory_space<hbm>> -> memref<8192xf32, #tpu.memory_space<hbm>>
    tpu.enqueue_dma source(%arg13 : memref<8192xf32, #tpu.memory_space<vmem>>) target(%dma_start3A_223 : memref<8192xf32, #tpu.memory_space<hbm>>) target_semaphore(%arg15 : memref<!tpu.dma_semaphore, #tpu.memory_space<semaphore_mem>>)
    %mul3A_224 = arith.constant 262144 : i32
    %mul3A_225 = arith.muli %add3A, %mul3A_224 : i32
    %add3A_226 = arith.constant 180224 : i32
    %add3A_227 = arith.addi %mul3A_225, %add3A_226 : i32
    %dma_start3A_228 = tpu.memref_slice %arg4[%add3A_227] : memref<8388608xf32, #tpu.memory_space<hbm>> -> memref<8192xf32, #tpu.memory_space<hbm>>
    %dma_start3A_229 = tpu.memref_slice %arg4[%add3A_227] : memref<8388608xf32, #tpu.memory_space<hbm>> -> memref<8192xf32, #tpu.memory_space<hbm>>
    tpu.enqueue_dma source(%arg13 : memref<8192xf32, #tpu.memory_space<vmem>>) target(%dma_start3A_229 : memref<8192xf32, #tpu.memory_space<hbm>>) target_semaphore(%arg15 : memref<!tpu.dma_semaphore, #tpu.memory_space<semaphore_mem>>)
    %mul3A_230 = arith.constant 262144 : i32
    %mul3A_231 = arith.muli %add3A, %mul3A_230 : i32
    %add3A_232 = arith.constant 188416 : i32
    %add3A_233 = arith.addi %mul3A_231, %add3A_232 : i32
    %dma_start3A_234 = tpu.memref_slice %arg4[%add3A_233] : memref<8388608xf32, #tpu.memory_space<hbm>> -> memref<8192xf32, #tpu.memory_space<hbm>>
    %dma_start3A_235 = tpu.memref_slice %arg4[%add3A_233] : memref<8388608xf32, #tpu.memory_space<hbm>> -> memref<8192xf32, #tpu.memory_space<hbm>>
    tpu.enqueue_dma source(%arg13 : memref<8192xf32, #tpu.memory_space<vmem>>) target(%dma_start3A_235 : memref<8192xf32, #tpu.memory_space<hbm>>) target_semaphore(%arg15 : memref<!tpu.dma_semaphore, #tpu.memory_space<semaphore_mem>>)
    %mul3A_236 = arith.constant 262144 : i32
    %mul3A_237 = arith.muli %add3A, %mul3A_236 : i32
    %add3A_238 = arith.constant 196608 : i32
    %add3A_239 = arith.addi %mul3A_237, %add3A_238 : i32
    %dma_start3A_240 = tpu.memref_slice %arg4[%add3A_239] : memref<8388608xf32, #tpu.memory_space<hbm>> -> memref<8192xf32, #tpu.memory_space<hbm>>
    %dma_start3A_241 = tpu.memref_slice %arg4[%add3A_239] : memref<8388608xf32, #tpu.memory_space<hbm>> -> memref<8192xf32, #tpu.memory_space<hbm>>
    tpu.enqueue_dma source(%arg13 : memref<8192xf32, #tpu.memory_space<vmem>>) target(%dma_start3A_241 : memref<8192xf32, #tpu.memory_space<hbm>>) target_semaphore(%arg15 : memref<!tpu.dma_semaphore, #tpu.memory_space<semaphore_mem>>)
    %mul3A_242 = arith.constant 262144 : i32
    %mul3A_243 = arith.muli %add3A, %mul3A_242 : i32
    %add3A_244 = arith.constant 204800 : i32
    %add3A_245 = arith.addi %mul3A_243, %add3A_244 : i32
    %dma_start3A_246 = tpu.memref_slice %arg4[%add3A_245] : memref<8388608xf32, #tpu.memory_space<hbm>> -> memref<8192xf32, #tpu.memory_space<hbm>>
    %dma_start3A_247 = tpu.memref_slice %arg4[%add3A_245] : memref<8388608xf32, #tpu.memory_space<hbm>> -> memref<8192xf32, #tpu.memory_space<hbm>>
    tpu.enqueue_dma source(%arg13 : memref<8192xf32, #tpu.memory_space<vmem>>) target(%dma_start3A_247 : memref<8192xf32, #tpu.memory_space<hbm>>) target_semaphore(%arg15 : memref<!tpu.dma_semaphore, #tpu.memory_space<semaphore_mem>>)
    %mul3A_248 = arith.constant 262144 : i32
    %mul3A_249 = arith.muli %add3A, %mul3A_248 : i32
    %add3A_250 = arith.constant 212992 : i32
    %add3A_251 = arith.addi %mul3A_249, %add3A_250 : i32
    %dma_start3A_252 = tpu.memref_slice %arg4[%add3A_251] : memref<8388608xf32, #tpu.memory_space<hbm>> -> memref<8192xf32, #tpu.memory_space<hbm>>
    %dma_start3A_253 = tpu.memref_slice %arg4[%add3A_251] : memref<8388608xf32, #tpu.memory_space<hbm>> -> memref<8192xf32, #tpu.memory_space<hbm>>
    tpu.enqueue_dma source(%arg13 : memref<8192xf32, #tpu.memory_space<vmem>>) target(%dma_start3A_253 : memref<8192xf32, #tpu.memory_space<hbm>>) target_semaphore(%arg15 : memref<!tpu.dma_semaphore, #tpu.memory_space<semaphore_mem>>)
    %mul3A_254 = arith.constant 262144 : i32
    %mul3A_255 = arith.muli %add3A, %mul3A_254 : i32
    %add3A_256 = arith.constant 221184 : i32
    %add3A_257 = arith.addi %mul3A_255, %add3A_256 : i32
    %dma_start3A_258 = tpu.memref_slice %arg4[%add3A_257] : memref<8388608xf32, #tpu.memory_space<hbm>> -> memref<8192xf32, #tpu.memory_space<hbm>>
    %dma_start3A_259 = tpu.memref_slice %arg4[%add3A_257] : memref<8388608xf32, #tpu.memory_space<hbm>> -> memref<8192xf32, #tpu.memory_space<hbm>>
    tpu.enqueue_dma source(%arg13 : memref<8192xf32, #tpu.memory_space<vmem>>) target(%dma_start3A_259 : memref<8192xf32, #tpu.memory_space<hbm>>) target_semaphore(%arg15 : memref<!tpu.dma_semaphore, #tpu.memory_space<semaphore_mem>>)
    %mul3A_260 = arith.constant 262144 : i32
    %mul3A_261 = arith.muli %add3A, %mul3A_260 : i32
    %add3A_262 = arith.constant 229376 : i32
    %add3A_263 = arith.addi %mul3A_261, %add3A_262 : i32
    %dma_start3A_264 = tpu.memref_slice %arg4[%add3A_263] : memref<8388608xf32, #tpu.memory_space<hbm>> -> memref<8192xf32, #tpu.memory_space<hbm>>
    %dma_start3A_265 = tpu.memref_slice %arg4[%add3A_263] : memref<8388608xf32, #tpu.memory_space<hbm>> -> memref<8192xf32, #tpu.memory_space<hbm>>
    tpu.enqueue_dma source(%arg13 : memref<8192xf32, #tpu.memory_space<vmem>>) target(%dma_start3A_265 : memref<8192xf32, #tpu.memory_space<hbm>>) target_semaphore(%arg15 : memref<!tpu.dma_semaphore, #tpu.memory_space<semaphore_mem>>)
    %mul3A_266 = arith.constant 262144 : i32
    %mul3A_267 = arith.muli %add3A, %mul3A_266 : i32
    %add3A_268 = arith.constant 237568 : i32
    %add3A_269 = arith.addi %mul3A_267, %add3A_268 : i32
    %dma_start3A_270 = tpu.memref_slice %arg4[%add3A_269] : memref<8388608xf32, #tpu.memory_space<hbm>> -> memref<8192xf32, #tpu.memory_space<hbm>>
    %dma_start3A_271 = tpu.memref_slice %arg4[%add3A_269] : memref<8388608xf32, #tpu.memory_space<hbm>> -> memref<8192xf32, #tpu.memory_space<hbm>>
    tpu.enqueue_dma source(%arg13 : memref<8192xf32, #tpu.memory_space<vmem>>) target(%dma_start3A_271 : memref<8192xf32, #tpu.memory_space<hbm>>) target_semaphore(%arg15 : memref<!tpu.dma_semaphore, #tpu.memory_space<semaphore_mem>>)
    %mul3A_272 = arith.constant 262144 : i32
    %mul3A_273 = arith.muli %add3A, %mul3A_272 : i32
    %add3A_274 = arith.constant 245760 : i32
    %add3A_275 = arith.addi %mul3A_273, %add3A_274 : i32
    %dma_start3A_276 = tpu.memref_slice %arg4[%add3A_275] : memref<8388608xf32, #tpu.memory_space<hbm>> -> memref<8192xf32, #tpu.memory_space<hbm>>
    %dma_start3A_277 = tpu.memref_slice %arg4[%add3A_275] : memref<8388608xf32, #tpu.memory_space<hbm>> -> memref<8192xf32, #tpu.memory_space<hbm>>
    tpu.enqueue_dma source(%arg13 : memref<8192xf32, #tpu.memory_space<vmem>>) target(%dma_start3A_277 : memref<8192xf32, #tpu.memory_space<hbm>>) target_semaphore(%arg15 : memref<!tpu.dma_semaphore, #tpu.memory_space<semaphore_mem>>)
    %mul3A_278 = arith.constant 262144 : i32
    %mul3A_279 = arith.muli %add3A, %mul3A_278 : i32
    %add3A_280 = arith.constant 253952 : i32
    %add3A_281 = arith.addi %mul3A_279, %add3A_280 : i32
    %dma_start3A_282 = tpu.memref_slice %arg4[%add3A_281] : memref<8388608xf32, #tpu.memory_space<hbm>> -> memref<8192xf32, #tpu.memory_space<hbm>>
    %dma_start3A_283 = tpu.memref_slice %arg4[%add3A_281] : memref<8388608xf32, #tpu.memory_space<hbm>> -> memref<8192xf32, #tpu.memory_space<hbm>>
    tpu.enqueue_dma source(%arg13 : memref<8192xf32, #tpu.memory_space<vmem>>) target(%dma_start3A_283 : memref<8192xf32, #tpu.memory_space<hbm>>) target_semaphore(%arg15 : memref<!tpu.dma_semaphore, #tpu.memory_space<semaphore_mem>>)
    "tpu.trace_stop"() : () -> ()
    "tpu.trace_start"() <{level = 10 : i32, message = "p3_prescan"}> : () -> ()
    %mul3A_284 = arith.constant 128 : i32
    %mul3A_285 = arith.muli %select_n3A_30, %mul3A_284 : i32
    %broadcast_in_dim3A_286 = arith.constant 0 : i32
    %broadcast_in_dim3A_287 = vector.broadcast %broadcast_in_dim3A_286 : i32 to vector<16xi32>
    %while3A = arith.constant 0 : i32
    %while3A_288 = arith.constant 0 : i32
    %while3A_289 = arith.subi %mul3A_285, %while3A : i32
    %while3A_290 = arith.addi %while3A, %while3A_289 : i32
    %while3A_291 = arith.constant 1 : i32
    %while3A_292 = arith.divsi %while3A_289, %while3A_291 : i32
    %while3A_293 = arith.muli %while3A_292, %while3A_291 : i32
    %while3A_294 = arith.addi %while3A, %while3A_293 : i32
    %while3A_295 = arith.constant 1 : i32
    %while3A_296:2 = scf.for %while3A_702 = %while3A to %while3A_294 step %while3A_295 iter_args(%while3A_703 = %broadcast_in_dim3A_287, %while3A_704 = %while3A_288) -> (vector<16xi32>, i32)  : i32 {
      %mul3A_705 = arith.constant 16 : i32
      %mul3A_706 = arith.muli %while3A_702, %mul3A_705 : i32
      %get3A = arith.index_cast %mul3A_706 : i32 to index
      %get3A_707 = tpu.vector_load %arg8[%get3A] {strides = array<i32>} : memref<2048xi32, #tpu.memory_space<vmem>>, vector<16xi32>,
      %eq3A_708 = arith.constant 0 : i32
      %eq3A_709 = vector.broadcast %eq3A_708 : i32 to vector<16xi32>
      %eq3A_710 = arith.cmpi eq, %get3A_707, %eq3A_709 : vector<16xi32>
      %jit3A_711 = arith.constant 1 : i32
      %jit3A_712 = arith.constant 0 : i32
      %broadcast_in_dim3A_713 = vector.broadcast %jit3A_711 : i32 to vector<16xi32>
      %broadcast_in_dim3A_714 = vector.broadcast %jit3A_712 : i32 to vector<16xi32>
      %select_n3A_715 = arith.select %eq3A_710, %broadcast_in_dim3A_713, %broadcast_in_dim3A_714 : vector<16xi1>, vector<16xi32>
      %broadcast_in_dim3A_716 = arith.constant true
      %broadcast_in_dim3A_717 = vector.broadcast %broadcast_in_dim3A_716 : i1 to vector<16xi1>
      %masked_cumsum3A = tpu.scan <sum>, %select_n3A_715 masked %broadcast_in_dim3A_717 : vector<16xi32>, vector<16xi1> -> vector<16xi32>
      %mul3A_718 = arith.constant 16 : i32
      %mul3A_719 = arith.muli %while3A_702, %mul3A_718 : i32
      %iota3A = tpu.iota {dimensions = array<i32: 0>} : vector<16xi32>
      %add3A_720 = vector.broadcast %mul3A_719 : i32 to vector<16xi32>
      %add3A_721 = arith.addi %add3A_720, %iota3A : vector<16xi32>
      %add3A_722 = arith.constant 1 : i32
      %add3A_723 = vector.broadcast %add3A_722 : i32 to vector<16xi32>
      %add3A_724 = arith.addi %add3A_721, %add3A_723 : vector<16xi32>
      %jit3A_725 = arith.constant 0 : i32
      %broadcast_in_dim3A_726 = vector.broadcast %jit3A_725 : i32 to vector<16xi32>
      %select_n3A_727 = arith.select %eq3A_710, %add3A_724, %broadcast_in_dim3A_726 : vector<16xi1>, vector<16xi32>
      %broadcast_in_dim3A_728 = arith.constant true
      %broadcast_in_dim3A_729 = vector.broadcast %broadcast_in_dim3A_728 : i1 to vector<16xi1>
      %masked_cummax3A = arith.constant -2147483648 : i32
      %masked_cummax3A_730 = vector.broadcast %masked_cummax3A : i32 to vector<16xi32>
      %masked_cummax3A_731 = arith.xori %select_n3A_727, %masked_cummax3A_730 : vector<16xi32>
      %masked_cummax3A_732 = tpu.scan <max>, %masked_cummax3A_731 masked %broadcast_in_dim3A_729 : vector<16xi32>, vector<16xi1> -> vector<16xi32>
      %masked_cummax3A_733 = arith.xori %masked_cummax3A_732, %masked_cummax3A_730 : vector<16xi32>
      %slice3A = vector.extract_strided_slice %masked_cumsum3A {offsets = [15], sizes = [1], strides = [1]} : vector<16xi32> to vector<1xi32>
      %squeeze3A = vector.extract %slice3A[0] : i32 from vector<1xi32>
      %add3A_734 = vector.broadcast %squeeze3A : i32 to vector<16xi32>
      %add3A_735 = arith.addi %while3A_703, %add3A_734 : vector<16xi32>
      %slice3A_736 = vector.extract_strided_slice %masked_cummax3A_733 {offsets = [15], sizes = [1], strides = [1]} : vector<16xi32> to vector<1xi32>
      %squeeze3A_737 = vector.extract %slice3A_736[0] : i32 from vector<1xi32>
      %max3A = arith.maxsi %while3A_704, %squeeze3A_737 : i32
      scf.yield %add3A_735, %max3A : vector<16xi32>, i32
    }
    %while3A_297 = arith.constant 1 : i32
    %while3A_298:2 = scf.for %while3A_702 = %while3A_294 to %while3A_290 step %while3A_297 iter_args(%while3A_703 = %while3A_296#0, %while3A_704 = %while3A_296#1) -> (vector<16xi32>, i32)  : i32 {
      %mul3A_705 = arith.constant 16 : i32
      %mul3A_706 = arith.muli %while3A_702, %mul3A_705 : i32
      %get3A = arith.index_cast %mul3A_706 : i32 to index
      %get3A_707 = tpu.vector_load %arg8[%get3A] {strides = array<i32>} : memref<2048xi32, #tpu.memory_space<vmem>>, vector<16xi32>,
      %eq3A_708 = arith.constant 0 : i32
      %eq3A_709 = vector.broadcast %eq3A_708 : i32 to vector<16xi32>
      %eq3A_710 = arith.cmpi eq, %get3A_707, %eq3A_709 : vector<16xi32>
      %jit3A_711 = arith.constant 1 : i32
      %jit3A_712 = arith.constant 0 : i32
      %broadcast_in_dim3A_713 = vector.broadcast %jit3A_711 : i32 to vector<16xi32>
      %broadcast_in_dim3A_714 = vector.broadcast %jit3A_712 : i32 to vector<16xi32>
      %select_n3A_715 = arith.select %eq3A_710, %broadcast_in_dim3A_713, %broadcast_in_dim3A_714 : vector<16xi1>, vector<16xi32>
      %broadcast_in_dim3A_716 = arith.constant true
      %broadcast_in_dim3A_717 = vector.broadcast %broadcast_in_dim3A_716 : i1 to vector<16xi1>
      %masked_cumsum3A = tpu.scan <sum>, %select_n3A_715 masked %broadcast_in_dim3A_717 : vector<16xi32>, vector<16xi1> -> vector<16xi32>
      %mul3A_718 = arith.constant 16 : i32
      %mul3A_719 = arith.muli %while3A_702, %mul3A_718 : i32
      %iota3A = tpu.iota {dimensions = array<i32: 0>} : vector<16xi32>
      %add3A_720 = vector.broadcast %mul3A_719 : i32 to vector<16xi32>
      %add3A_721 = arith.addi %add3A_720, %iota3A : vector<16xi32>
      %add3A_722 = arith.constant 1 : i32
      %add3A_723 = vector.broadcast %add3A_722 : i32 to vector<16xi32>
      %add3A_724 = arith.addi %add3A_721, %add3A_723 : vector<16xi32>
      %jit3A_725 = arith.constant 0 : i32
      %broadcast_in_dim3A_726 = vector.broadcast %jit3A_725 : i32 to vector<16xi32>
      %select_n3A_727 = arith.select %eq3A_710, %add3A_724, %broadcast_in_dim3A_726 : vector<16xi1>, vector<16xi32>
      %broadcast_in_dim3A_728 = arith.constant true
      %broadcast_in_dim3A_729 = vector.broadcast %broadcast_in_dim3A_728 : i1 to vector<16xi1>
      %masked_cummax3A = arith.constant -2147483648 : i32
      %masked_cummax3A_730 = vector.broadcast %masked_cummax3A : i32 to vector<16xi32>
      %masked_cummax3A_731 = arith.xori %select_n3A_727, %masked_cummax3A_730 : vector<16xi32>
      %masked_cummax3A_732 = tpu.scan <max>, %masked_cummax3A_731 masked %broadcast_in_dim3A_729 : vector<16xi32>, vector<16xi1> -> vector<16xi32>
      %masked_cummax3A_733 = arith.xori %masked_cummax3A_732, %masked_cummax3A_730 : vector<16xi32>
      %slice3A = vector.extract_strided_slice %masked_cumsum3A {offsets = [15], sizes = [1], strides = [1]} : vector<16xi32> to vector<1xi32>
      %squeeze3A = vector.extract %slice3A[0] : i32 from vector<1xi32>
      %add3A_734 = vector.broadcast %squeeze3A : i32 to vector<16xi32>
      %add3A_735 = arith.addi %while3A_703, %add3A_734 : vector<16xi32>
      %slice3A_736 = vector.extract_strided_slice %masked_cummax3A_733 {offsets = [15], sizes = [1], strides = [1]} : vector<16xi32> to vector<1xi32>
      %squeeze3A_737 = vector.extract %slice3A_736[0] : i32 from vector<1xi32>
      %max3A = arith.maxsi %while3A_704, %squeeze3A_737 : i32
      scf.yield %add3A_735, %max3A : vector<16xi32>, i32
    }
    %broadcast_in_dim3A_299 = arith.constant 1 : i32
    "tpu.trace_stop"() : () -> ()
    %broadcast_in_dim3A_300 = vector.broadcast %broadcast_in_dim3A_299 : i32 to vector<16xi32>
    %mul3A_301 = arith.constant 2048 : i32
    %mul3A_302 = arith.muli %select_n3A_30, %mul3A_301 : i32
    "tpu.trace_start"() <{level = 10 : i32, message = "p4_scan"}> : () -> ()
    %scan3A_303 = arith.constant 0 : i32
    %scan3A_304 = arith.constant 128 : i32
    %scan3A_305 = arith.addi %scan3A_303, %scan3A_304 : i32
    %scan3A_306 = arith.constant 1 : i32
    %scan3A_307:2 = scf.for %scan3A_702 = %scan3A_303 to %scan3A_305 step %scan3A_306 iter_args(%scan3A_703 = %while3A_298#0, %scan3A_704 = %while3A_298#1) -> (vector<16xi32>, i32)  : i32 {
      %mul3A_705 = arith.constant 16 : i32
      %mul3A_706 = arith.muli %scan3A_702, %mul3A_705 : i32
      %get3A = arith.index_cast %mul3A_706 : i32 to index
      %get3A_707 = tpu.vector_load %arg6[%get3A] {strides = array<i32>} : memref<2048xi32, #tpu.memory_space<vmem>>, vector<16xi32>,
      %mul3A_708 = arith.constant 16 : i32
      %mul3A_709 = arith.muli %scan3A_702, %mul3A_708 : i32
      %get3A_710 = arith.index_cast %mul3A_709 : i32 to index
      %get3A_711 = tpu.vector_load %arg7[%get3A_710] {strides = array<i32>} : memref<2048xf32, #tpu.memory_space<vmem>>, vector<16xf32>,
      %eq3A_712 = arith.constant 0 : i32
      %eq3A_713 = vector.broadcast %eq3A_712 : i32 to vector<16xi32>
      %eq3A_714 = arith.cmpi eq, %get3A_707, %eq3A_713 : vector<16xi32>
      %jit3A_715 = arith.constant 1 : i32
      %jit3A_716 = arith.constant 0 : i32
      %broadcast_in_dim3A_717 = vector.broadcast %jit3A_715 : i32 to vector<16xi32>
      %broadcast_in_dim3A_718 = vector.broadcast %jit3A_716 : i32 to vector<16xi32>
      %select_n3A_719 = arith.select %eq3A_714, %broadcast_in_dim3A_717, %broadcast_in_dim3A_718 : vector<16xi1>, vector<16xi32>
      %broadcast_in_dim3A_720 = arith.constant true
      %broadcast_in_dim3A_721 = vector.broadcast %broadcast_in_dim3A_720 : i1 to vector<16xi1>
      %masked_cumsum3A = tpu.scan <sum>, %select_n3A_719 masked %broadcast_in_dim3A_721 : vector<16xi32>, vector<16xi1> -> vector<16xi32>
      %sub3A_722 = arith.subi %masked_cumsum3A, %select_n3A_719 : vector<16xi32>
      %add3A_723 = arith.addi %scan3A_703, %sub3A_722 : vector<16xi32>
      %mul3A_724 = arith.constant 16 : i32
      %mul3A_725 = arith.muli %scan3A_702, %mul3A_724 : i32
      %add3A_726 = arith.addi %mul3A_302, %mul3A_725 : i32
      %iota3A = tpu.iota {dimensions = array<i32: 0>} : vector<16xi32>
      %add3A_727 = vector.broadcast %add3A_726 : i32 to vector<16xi32>
      %add3A_728 = arith.addi %add3A_727, %iota3A : vector<16xi32>
      %add3A_729 = arith.constant 1 : i32
      %add3A_730 = vector.broadcast %add3A_729 : i32 to vector<16xi32>
      %add3A_731 = arith.addi %add3A_728, %add3A_730 : vector<16xi32>
      %jit3A_732 = arith.constant 0 : i32
      %broadcast_in_dim3A_733 = vector.broadcast %jit3A_732 : i32 to vector<16xi32>
      %select_n3A_734 = arith.select %eq3A_714, %add3A_731, %broadcast_in_dim3A_733 : vector<16xi1>, vector<16xi32>
      %broadcast_in_dim3A_735 = arith.constant true
      %broadcast_in_dim3A_736 = vector.broadcast %broadcast_in_dim3A_735 : i1 to vector<16xi1>
      %masked_cummax3A = arith.constant -2147483648 : i32
      %masked_cummax3A_737 = vector.broadcast %masked_cummax3A : i32 to vector<16xi32>
      %masked_cummax3A_738 = arith.xori %select_n3A_734, %masked_cummax3A_737 : vector<16xi32>
      %masked_cummax3A_739 = tpu.scan <max>, %masked_cummax3A_738 masked %broadcast_in_dim3A_736 : vector<16xi32>, vector<16xi1> -> vector<16xi32>
      %masked_cummax3A_740 = arith.xori %masked_cummax3A_739, %masked_cummax3A_737 : vector<16xi32>
      %max3A = vector.broadcast %scan3A_704 : i32 to vector<16xi32>
      %max3A_741 = arith.maxsi %masked_cummax3A_740, %max3A : vector<16xi32>
      %sub3A_742 = arith.subi %add3A_728, %max3A_741 : vector<16xi32>
      %not3A = arith.constant dense<true> : vector<16xi1>
      %not3A_743 = arith.xori %eq3A_714, %not3A : vector<16xi1>
      %lt3A_744 = arith.constant 128 : i32
      %lt3A_745 = vector.broadcast %lt3A_744 : i32 to vector<16xi32>
      %lt3A_746 = arith.cmpi slt, %add3A_723, %lt3A_745 : vector<16xi32>
      %and3A_747 = arith.andi %not3A_743, %lt3A_746 : vector<16xi1>
      %mul3A_748 = arith.constant 4096 : i32
      %mul3A_749 = vector.broadcast %mul3A_748 : i32 to vector<16xi32>
      %mul3A_750 = arith.muli %add3A_723, %mul3A_749 : vector<16xi32>
      %add3A_751 = vector.broadcast %mul3A_58 : i32 to vector<16xi32>
      %add3A_752 = arith.addi %add3A_751, %mul3A_750 : vector<16xi32>
      %add3A_753 = arith.addi %add3A_752, %sub3A_742 : vector<16xi32>
      %broadcast_in_dim3A_754 = vector.broadcast %sub3A_62 : i32 to vector<16xi32>
      %select_n3A_755 = arith.select %and3A_747, %add3A_753, %broadcast_in_dim3A_754 : vector<16xi1>, vector<16xi32>
      %jit3A_756 = arith.constant 0.000000e+00 : f32
      %broadcast_in_dim3A_757 = vector.broadcast %jit3A_756 : f32 to vector<16xf32>
      %select_n3A_758 = arith.select %and3A_747, %get3A_711, %broadcast_in_dim3A_757 : vector<16xi1>, vector<16xf32>
      %jit3A_759 = arith.constant 8 : i32
      %div3A_760 = arith.divsi %scan3A_702, %jit3A_759 : i32
      %sign3A_761 = arith.constant 0 : i32
      %sign3A_762 = arith.cmpi sgt, %scan3A_702, %sign3A_761 : i32
      %sign3A_763 = arith.extui %sign3A_762 : i1 to i32
      %sign3A_764 = arith.constant 0 : i32
      %sign3A_765 = arith.cmpi slt, %scan3A_702, %sign3A_764 : i32
      %sign3A_766 = arith.extui %sign3A_765 : i1 to i32
      %sign3A_767 = arith.subi %sign3A_763, %sign3A_766 : i32
      %sign3A_768 = arith.constant 0 : i32
      %sign3A_769 = arith.cmpi sgt, %jit3A_759, %sign3A_768 : i32
      %sign3A_770 = arith.extui %sign3A_769 : i1 to i32
      %sign3A_771 = arith.constant 0 : i32
      %sign3A_772 = arith.cmpi slt, %jit3A_759, %sign3A_771 : i32
      %sign3A_773 = arith.extui %sign3A_772 : i1 to i32
      %sign3A_774 = arith.subi %sign3A_770, %sign3A_773 : i32
      %ne3A_775 = arith.cmpi ne, %sign3A_767, %sign3A_774 : i32
      %rem3A_776 = arith.remsi %scan3A_702, %jit3A_759 : i32
      %ne3A_777 = arith.constant 0 : i32
      %ne3A_778 = arith.cmpi ne, %rem3A_776, %ne3A_777 : i32
      %and3A_779 = arith.andi %ne3A_775, %ne3A_778 : i1
      %sub3A_780 = arith.constant 1 : i32
      %sub3A_781 = arith.subi %div3A_760, %sub3A_780 : i32
      %select_n3A_782 = arith.select %and3A_779, %sub3A_781, %div3A_760 : i32
      %jit3A_783 = arith.constant 8 : i32
      %eq3A_784 = arith.constant 0 : i32
      %eq3A_785 = arith.cmpi eq, %jit3A_783, %eq3A_784 : i32
      %jit3A_786 = arith.constant 1 : i32
      %select_n3A_787 = arith.select %eq3A_785, %jit3A_786, %jit3A_783 : i32
      %rem3A_788 = arith.remsi %scan3A_702, %select_n3A_787 : i32
      %ne3A_789 = arith.constant 0 : i32
      %ne3A_790 = arith.cmpi ne, %rem3A_788, %ne3A_789 : i32
      %lt3A_791 = arith.constant 0 : i32
      %lt3A_792 = arith.cmpi slt, %rem3A_788, %lt3A_791 : i32
      %lt3A_793 = arith.constant 0 : i32
      %lt3A_794 = arith.cmpi slt, %select_n3A_787, %lt3A_793 : i32
      %ne3A_795 = arith.xori %lt3A_792, %lt3A_794 : i1
      %and3A_796 = arith.andi %ne3A_795, %ne3A_790 : i1
      %add3A_797 = arith.addi %rem3A_788, %select_n3A_787 : i32
      %select_n3A_798 = arith.select %and3A_796, %add3A_797, %rem3A_788 : i32
      %mul3A_799 = arith.constant 16 : i32
      %mul3A_800 = arith.muli %select_n3A_798, %mul3A_799 : i32
      %swap3A_801 = arith.index_cast %select_n3A_782 : i32 to index
      %swap3A_802 = arith.index_cast %mul3A_800 : i32 to index
      %swap3A_803 = tpu.vector_load %arg9[%swap3A_801, %swap3A_802] {strides = array<i32>} : memref<16x128xi32, #tpu.memory_space<vmem>>, vector<16xi32>,
      tpu.vector_store %arg9[%swap3A_801, %swap3A_802], %select_n3A_755 {strides = array<i32>} : memref<16x128xi32, #tpu.memory_space<vmem>>, vector<16xi32>,
      %jit3A_804 = arith.constant 8 : i32
      %div3A_805 = arith.divsi %scan3A_702, %jit3A_804 : i32
      %sign3A_806 = arith.constant 0 : i32
      %sign3A_807 = arith.cmpi sgt, %scan3A_702, %sign3A_806 : i32
      %sign3A_808 = arith.extui %sign3A_807 : i1 to i32
      %sign3A_809 = arith.constant 0 : i32
      %sign3A_810 = arith.cmpi slt, %scan3A_702, %sign3A_809 : i32
      %sign3A_811 = arith.extui %sign3A_810 : i1 to i32
      %sign3A_812 = arith.subi %sign3A_808, %sign3A_811 : i32
      %sign3A_813 = arith.constant 0 : i32
      %sign3A_814 = arith.cmpi sgt, %jit3A_804, %sign3A_813 : i32
      %sign3A_815 = arith.extui %sign3A_814 : i1 to i32
      %sign3A_816 = arith.constant 0 : i32
      %sign3A_817 = arith.cmpi slt, %jit3A_804, %sign3A_816 : i32
      %sign3A_818 = arith.extui %sign3A_817 : i1 to i32
      %sign3A_819 = arith.subi %sign3A_815, %sign3A_818 : i32
      %ne3A_820 = arith.cmpi ne, %sign3A_812, %sign3A_819 : i32
      %rem3A_821 = arith.remsi %scan3A_702, %jit3A_804 : i32
      %ne3A_822 = arith.constant 0 : i32
      %ne3A_823 = arith.cmpi ne, %rem3A_821, %ne3A_822 : i32
      %and3A_824 = arith.andi %ne3A_820, %ne3A_823 : i1
      %sub3A_825 = arith.constant 1 : i32
      %sub3A_826 = arith.subi %div3A_805, %sub3A_825 : i32
      %select_n3A_827 = arith.select %and3A_824, %sub3A_826, %div3A_805 : i32
      %jit3A_828 = arith.constant 8 : i32
      %eq3A_829 = arith.constant 0 : i32
      %eq3A_830 = arith.cmpi eq, %jit3A_828, %eq3A_829 : i32
      %jit3A_831 = arith.constant 1 : i32
      %select_n3A_832 = arith.select %eq3A_830, %jit3A_831, %jit3A_828 : i32
      %rem3A_833 = arith.remsi %scan3A_702, %select_n3A_832 : i32
      %ne3A_834 = arith.constant 0 : i32
      %ne3A_835 = arith.cmpi ne, %rem3A_833, %ne3A_834 : i32
      %lt3A_836 = arith.constant 0 : i32
      %lt3A_837 = arith.cmpi slt, %rem3A_833, %lt3A_836 : i32
      %lt3A_838 = arith.constant 0 : i32
      %lt3A_839 = arith.cmpi slt, %select_n3A_832, %lt3A_838 : i32
      %ne3A_840 = arith.xori %lt3A_837, %lt3A_839 : i1
      %and3A_841 = arith.andi %ne3A_840, %ne3A_835 : i1
      %add3A_842 = arith.addi %rem3A_833, %select_n3A_832 : i32
      %select_n3A_843 = arith.select %and3A_841, %add3A_842, %rem3A_833 : i32
      %mul3A_844 = arith.constant 16 : i32
      %mul3A_845 = arith.muli %select_n3A_843, %mul3A_844 : i32
      %swap3A_846 = arith.index_cast %select_n3A_827 : i32 to index
      %swap3A_847 = arith.index_cast %mul3A_845 : i32 to index
      %swap3A_848 = tpu.vector_load %arg10[%swap3A_846, %swap3A_847] {strides = array<i32>} : memref<16x128xf32, #tpu.memory_space<vmem>>, vector<16xf32>,
      tpu.vector_store %arg10[%swap3A_846, %swap3A_847], %select_n3A_758 {strides = array<i32>} : memref<16x128xf32, #tpu.memory_space<vmem>>, vector<16xf32>,
      tpu.vector_store_idx %arg11[%add3A_723], %broadcast_in_dim3A_300 masked %and3A_747 {add = true} : memref<128xi32, #tpu.memory_space<vmem>>[vector<16xi32>], vector<16xi32>, vector<16xi1>
      %slice3A = vector.extract_strided_slice %masked_cumsum3A {offsets = [15], sizes = [1], strides = [1]} : vector<16xi32> to vector<1xi32>
      %squeeze3A = vector.extract %slice3A[0] : i32 from vector<1xi32>
      %add3A_849 = vector.broadcast %squeeze3A : i32 to vector<16xi32>
      %add3A_850 = arith.addi %scan3A_703, %add3A_849 : vector<16xi32>
      %slice3A_851 = vector.extract_strided_slice %max3A_741 {offsets = [15], sizes = [1], strides = [1]} : vector<16xi32> to vector<1xi32>
      %squeeze3A_852 = vector.extract %slice3A_851[0] : i32 from vector<1xi32>
      scf.yield %add3A_850, %squeeze3A_852 : vector<16xi32>, i32
    }
    %scan3A_308 = arith.constant 128 : i32
    %eq3A_309 = arith.constant 0 : i32
    "tpu.trace_stop"() : () -> ()
    %eq3A_310 = arith.cmpi eq, %select_n3A_30, %eq3A_309 : i32
    %convert_element_type3A_311 = arith.extui %eq3A_310 : i1 to i32
    %cond3A_312 = arith.constant 0 : i32
    %cond3A_313 = arith.cmpi ne, %convert_element_type3A_311, %cond3A_312 : i32
    scf.if %cond3A_313 {
      "tpu.region"() ({
        %run_scoped3A = tpu.sem_alloc : memref<!tpu.dma_semaphore, #tpu.memory_space<semaphore_mem>>
        %dma_start3A_702 = arith.constant 0 : i32
        %dma_start3A_703 = tpu.memref_slice %arg14[%select_n3A_54, %dma_start3A_702] : memref<8x128xi32, #tpu.memory_space<vmem_shared>> -> memref<1x128xi32, #tpu.memory_space<vmem_shared>>
        %dma_start3A_704 = tpu.memref_squeeze %dma_start3A_703 : memref<1x128xi32, #tpu.memory_space<vmem_shared>> -> memref<128xi32, #tpu.memory_space<vmem_shared>>
        %dma_start3A_705 = arith.constant 0 : i32
        %dma_start3A_706 = tpu.memref_slice %arg14[%select_n3A_54, %dma_start3A_705] : memref<8x128xi32, #tpu.memory_space<vmem_shared>> -> memref<1x128xi32, #tpu.memory_space<vmem_shared>>
        %dma_start3A_707 = tpu.memref_squeeze %dma_start3A_706 : memref<1x128xi32, #tpu.memory_space<vmem_shared>> -> memref<128xi32, #tpu.memory_space<vmem_shared>>
        tpu.enqueue_dma source(%arg11 : memref<128xi32, #tpu.memory_space<vmem>>) target(%dma_start3A_707 : memref<128xi32, #tpu.memory_space<vmem_shared>>) target_semaphore(%run_scoped3A : memref<!tpu.dma_semaphore, #tpu.memory_space<semaphore_mem>>)
        %dma_wait3A_708 = arith.constant 0 : i32
        %dma_wait3A_709 = tpu.memref_slice %arg14[%select_n3A_54, %dma_wait3A_708] : memref<8x128xi32, #tpu.memory_space<vmem_shared>> -> memref<1x128xi32, #tpu.memory_space<vmem_shared>>
        %dma_wait3A_710 = tpu.memref_squeeze %dma_wait3A_709 : memref<1x128xi32, #tpu.memory_space<vmem_shared>> -> memref<128xi32, #tpu.memory_space<vmem_shared>>
        %dma_wait3A_711 = arith.constant 0 : i32
        %dma_wait3A_712 = tpu.memref_slice %arg14[%select_n3A_54, %dma_wait3A_711] : memref<8x128xi32, #tpu.memory_space<vmem_shared>> -> memref<1x128xi32, #tpu.memory_space<vmem_shared>>
        %dma_wait3A_713 = tpu.memref_squeeze %dma_wait3A_712 : memref<1x128xi32, #tpu.memory_space<vmem_shared>> -> memref<128xi32, #tpu.memory_space<vmem_shared>>
        tpu.wait_dma2 semaphore(%run_scoped3A : memref<!tpu.dma_semaphore, #tpu.memory_space<semaphore_mem>>) src(%arg11 : memref<128xi32, #tpu.memory_space<vmem>>) dst(%dma_wait3A_713 : memref<128xi32, #tpu.memory_space<vmem_shared>>)
        tpu.yield
      }) : () -> ()
    } else {
    }
    "tpu.trace_start"() <{level = 10 : i32, message = "p6_drain"}> : () -> ()
    %dma_wait3A = tpu.memref_slice %arg4[%add3A_96] : memref<8388608xf32, #tpu.memory_space<hbm>> -> memref<8192xf32, #tpu.memory_space<hbm>>
    %dma_wait3A_314 = tpu.memref_slice %arg4[%add3A_96] : memref<8388608xf32, #tpu.memory_space<hbm>> -> memref<8192xf32, #tpu.memory_space<hbm>>
    tpu.wait_dma2 semaphore(%arg15 : memref<!tpu.dma_semaphore, #tpu.memory_space<semaphore_mem>>) src(%arg13 : memref<8192xf32, #tpu.memory_space<vmem>>) dst(%dma_wait3A_314 : memref<8192xf32, #tpu.memory_space<hbm>>)
    %dma_wait3A_315 = tpu.memref_slice %arg4[%add3A_101] : memref<8388608xf32, #tpu.memory_space<hbm>> -> memref<8192xf32, #tpu.memory_space<hbm>>
    %dma_wait3A_316 = tpu.memref_slice %arg4[%add3A_101] : memref<8388608xf32, #tpu.memory_space<hbm>> -> memref<8192xf32, #tpu.memory_space<hbm>>
    tpu.wait_dma2 semaphore(%arg15 : memref<!tpu.dma_semaphore, #tpu.memory_space<semaphore_mem>>) src(%arg13 : memref<8192xf32, #tpu.memory_space<vmem>>) dst(%dma_wait3A_316 : memref<8192xf32, #tpu.memory_space<hbm>>)
    %dma_wait3A_317 = tpu.memref_slice %arg4[%add3A_107] : memref<8388608xf32, #tpu.memory_space<hbm>> -> memref<8192xf32, #tpu.memory_space<hbm>>
    %dma_wait3A_318 = tpu.memref_slice %arg4[%add3A_107] : memref<8388608xf32, #tpu.memory_space<hbm>> -> memref<8192xf32, #tpu.memory_space<hbm>>
    tpu.wait_dma2 semaphore(%arg15 : memref<!tpu.dma_semaphore, #tpu.memory_space<semaphore_mem>>) src(%arg13 : memref<8192xf32, #tpu.memory_space<vmem>>) dst(%dma_wait3A_318 : memref<8192xf32, #tpu.memory_space<hbm>>)
    %dma_wait3A_319 = tpu.memref_slice %arg4[%add3A_113] : memref<8388608xf32, #tpu.memory_space<hbm>> -> memref<8192xf32, #tpu.memory_space<hbm>>
    %dma_wait3A_320 = tpu.memref_slice %arg4[%add3A_113] : memref<8388608xf32, #tpu.memory_space<hbm>> -> memref<8192xf32, #tpu.memory_space<hbm>>
    tpu.wait_dma2 semaphore(%arg15 : memref<!tpu.dma_semaphore, #tpu.memory_space<semaphore_mem>>) src(%arg13 : memref<8192xf32, #tpu.memory_space<vmem>>) dst(%dma_wait3A_320 : memref<8192xf32, #tpu.memory_space<hbm>>)
    %dma_wait3A_321 = tpu.memref_slice %arg4[%add3A_119] : memref<8388608xf32, #tpu.memory_space<hbm>> -> memref<8192xf32, #tpu.memory_space<hbm>>
    %dma_wait3A_322 = tpu.memref_slice %arg4[%add3A_119] : memref<8388608xf32, #tpu.memory_space<hbm>> -> memref<8192xf32, #tpu.memory_space<hbm>>
    tpu.wait_dma2 semaphore(%arg15 : memref<!tpu.dma_semaphore, #tpu.memory_space<semaphore_mem>>) src(%arg13 : memref<8192xf32, #tpu.memory_space<vmem>>) dst(%dma_wait3A_322 : memref<8192xf32, #tpu.memory_space<hbm>>)
    %dma_wait3A_323 = tpu.memref_slice %arg4[%add3A_125] : memref<8388608xf32, #tpu.memory_space<hbm>> -> memref<8192xf32, #tpu.memory_space<hbm>>
    %dma_wait3A_324 = tpu.memref_slice %arg4[%add3A_125] : memref<8388608xf32, #tpu.memory_space<hbm>> -> memref<8192xf32, #tpu.memory_space<hbm>>
    tpu.wait_dma2 semaphore(%arg15 : memref<!tpu.dma_semaphore, #tpu.memory_space<semaphore_mem>>) src(%arg13 : memref<8192xf32, #tpu.memory_space<vmem>>) dst(%dma_wait3A_324 : memref<8192xf32, #tpu.memory_space<hbm>>)
    %dma_wait3A_325 = tpu.memref_slice %arg4[%add3A_131] : memref<8388608xf32, #tpu.memory_space<hbm>> -> memref<8192xf32, #tpu.memory_space<hbm>>
    %dma_wait3A_326 = tpu.memref_slice %arg4[%add3A_131] : memref<8388608xf32, #tpu.memory_space<hbm>> -> memref<8192xf32, #tpu.memory_space<hbm>>
    tpu.wait_dma2 semaphore(%arg15 : memref<!tpu.dma_semaphore, #tpu.memory_space<semaphore_mem>>) src(%arg13 : memref<8192xf32, #tpu.memory_space<vmem>>) dst(%dma_wait3A_326 : memref<8192xf32, #tpu.memory_space<hbm>>)
    %dma_wait3A_327 = tpu.memref_slice %arg4[%add3A_137] : memref<8388608xf32, #tpu.memory_space<hbm>> -> memref<8192xf32, #tpu.memory_space<hbm>>
    %dma_wait3A_328 = tpu.memref_slice %arg4[%add3A_137] : memref<8388608xf32, #tpu.memory_space<hbm>> -> memref<8192xf32, #tpu.memory_space<hbm>>
    tpu.wait_dma2 semaphore(%arg15 : memref<!tpu.dma_semaphore, #tpu.memory_space<semaphore_mem>>) src(%arg13 : memref<8192xf32, #tpu.memory_space<vmem>>) dst(%dma_wait3A_328 : memref<8192xf32, #tpu.memory_space<hbm>>)
    %dma_wait3A_329 = tpu.memref_slice %arg4[%add3A_143] : memref<8388608xf32, #tpu.memory_space<hbm>> -> memref<8192xf32, #tpu.memory_space<hbm>>
    %dma_wait3A_330 = tpu.memref_slice %arg4[%add3A_143] : memref<8388608xf32, #tpu.memory_space<hbm>> -> memref<8192xf32, #tpu.memory_space<hbm>>
    tpu.wait_dma2 semaphore(%arg15 : memref<!tpu.dma_semaphore, #tpu.memory_space<semaphore_mem>>) src(%arg13 : memref<8192xf32, #tpu.memory_space<vmem>>) dst(%dma_wait3A_330 : memref<8192xf32, #tpu.memory_space<hbm>>)
    %dma_wait3A_331 = tpu.memref_slice %arg4[%add3A_149] : memref<8388608xf32, #tpu.memory_space<hbm>> -> memref<8192xf32, #tpu.memory_space<hbm>>
    %dma_wait3A_332 = tpu.memref_slice %arg4[%add3A_149] : memref<8388608xf32, #tpu.memory_space<hbm>> -> memref<8192xf32, #tpu.memory_space<hbm>>
    tpu.wait_dma2 semaphore(%arg15 : memref<!tpu.dma_semaphore, #tpu.memory_space<semaphore_mem>>) src(%arg13 : memref<8192xf32, #tpu.memory_space<vmem>>) dst(%dma_wait3A_332 : memref<8192xf32, #tpu.memory_space<hbm>>)
    %dma_wait3A_333 = tpu.memref_slice %arg4[%add3A_155] : memref<8388608xf32, #tpu.memory_space<hbm>> -> memref<8192xf32, #tpu.memory_space<hbm>>
    %dma_wait3A_334 = tpu.memref_slice %arg4[%add3A_155] : memref<8388608xf32, #tpu.memory_space<hbm>> -> memref<8192xf32, #tpu.memory_space<hbm>>
    tpu.wait_dma2 semaphore(%arg15 : memref<!tpu.dma_semaphore, #tpu.memory_space<semaphore_mem>>) src(%arg13 : memref<8192xf32, #tpu.memory_space<vmem>>) dst(%dma_wait3A_334 : memref<8192xf32, #tpu.memory_space<hbm>>)
    %dma_wait3A_335 = tpu.memref_slice %arg4[%add3A_161] : memref<8388608xf32, #tpu.memory_space<hbm>> -> memref<8192xf32, #tpu.memory_space<hbm>>
    %dma_wait3A_336 = tpu.memref_slice %arg4[%add3A_161] : memref<8388608xf32, #tpu.memory_space<hbm>> -> memref<8192xf32, #tpu.memory_space<hbm>>
    tpu.wait_dma2 semaphore(%arg15 : memref<!tpu.dma_semaphore, #tpu.memory_space<semaphore_mem>>) src(%arg13 : memref<8192xf32, #tpu.memory_space<vmem>>) dst(%dma_wait3A_336 : memref<8192xf32, #tpu.memory_space<hbm>>)
    %dma_wait3A_337 = tpu.memref_slice %arg4[%add3A_167] : memref<8388608xf32, #tpu.memory_space<hbm>> -> memref<8192xf32, #tpu.memory_space<hbm>>
    %dma_wait3A_338 = tpu.memref_slice %arg4[%add3A_167] : memref<8388608xf32, #tpu.memory_space<hbm>> -> memref<8192xf32, #tpu.memory_space<hbm>>
    tpu.wait_dma2 semaphore(%arg15 : memref<!tpu.dma_semaphore, #tpu.memory_space<semaphore_mem>>) src(%arg13 : memref<8192xf32, #tpu.memory_space<vmem>>) dst(%dma_wait3A_338 : memref<8192xf32, #tpu.memory_space<hbm>>)
    %dma_wait3A_339 = tpu.memref_slice %arg4[%add3A_173] : memref<8388608xf32, #tpu.memory_space<hbm>> -> memref<8192xf32, #tpu.memory_space<hbm>>
    %dma_wait3A_340 = tpu.memref_slice %arg4[%add3A_173] : memref<8388608xf32, #tpu.memory_space<hbm>> -> memref<8192xf32, #tpu.memory_space<hbm>>
    tpu.wait_dma2 semaphore(%arg15 : memref<!tpu.dma_semaphore, #tpu.memory_space<semaphore_mem>>) src(%arg13 : memref<8192xf32, #tpu.memory_space<vmem>>) dst(%dma_wait3A_340 : memref<8192xf32, #tpu.memory_space<hbm>>)
    %dma_wait3A_341 = tpu.memref_slice %arg4[%add3A_179] : memref<8388608xf32, #tpu.memory_space<hbm>> -> memref<8192xf32, #tpu.memory_space<hbm>>
    %dma_wait3A_342 = tpu.memref_slice %arg4[%add3A_179] : memref<8388608xf32, #tpu.memory_space<hbm>> -> memref<8192xf32, #tpu.memory_space<hbm>>
    tpu.wait_dma2 semaphore(%arg15 : memref<!tpu.dma_semaphore, #tpu.memory_space<semaphore_mem>>) src(%arg13 : memref<8192xf32, #tpu.memory_space<vmem>>) dst(%dma_wait3A_342 : memref<8192xf32, #tpu.memory_space<hbm>>)
    %dma_wait3A_343 = tpu.memref_slice %arg4[%add3A_185] : memref<8388608xf32, #tpu.memory_space<hbm>> -> memref<8192xf32, #tpu.memory_space<hbm>>
    %dma_wait3A_344 = tpu.memref_slice %arg4[%add3A_185] : memref<8388608xf32, #tpu.memory_space<hbm>> -> memref<8192xf32, #tpu.memory_space<hbm>>
    tpu.wait_dma2 semaphore(%arg15 : memref<!tpu.dma_semaphore, #tpu.memory_space<semaphore_mem>>) src(%arg13 : memref<8192xf32, #tpu.memory_space<vmem>>) dst(%dma_wait3A_344 : memref<8192xf32, #tpu.memory_space<hbm>>)
    %dma_wait3A_345 = tpu.memref_slice %arg4[%add3A_191] : memref<8388608xf32, #tpu.memory_space<hbm>> -> memref<8192xf32, #tpu.memory_space<hbm>>
    %dma_wait3A_346 = tpu.memref_slice %arg4[%add3A_191] : memref<8388608xf32, #tpu.memory_space<hbm>> -> memref<8192xf32, #tpu.memory_space<hbm>>
    tpu.wait_dma2 semaphore(%arg15 : memref<!tpu.dma_semaphore, #tpu.memory_space<semaphore_mem>>) src(%arg13 : memref<8192xf32, #tpu.memory_space<vmem>>) dst(%dma_wait3A_346 : memref<8192xf32, #tpu.memory_space<hbm>>)
    %dma_wait3A_347 = tpu.memref_slice %arg4[%add3A_197] : memref<8388608xf32, #tpu.memory_space<hbm>> -> memref<8192xf32, #tpu.memory_space<hbm>>
    %dma_wait3A_348 = tpu.memref_slice %arg4[%add3A_197] : memref<8388608xf32, #tpu.memory_space<hbm>> -> memref<8192xf32, #tpu.memory_space<hbm>>
    tpu.wait_dma2 semaphore(%arg15 : memref<!tpu.dma_semaphore, #tpu.memory_space<semaphore_mem>>) src(%arg13 : memref<8192xf32, #tpu.memory_space<vmem>>) dst(%dma_wait3A_348 : memref<8192xf32, #tpu.memory_space<hbm>>)
    %dma_wait3A_349 = tpu.memref_slice %arg4[%add3A_203] : memref<8388608xf32, #tpu.memory_space<hbm>> -> memref<8192xf32, #tpu.memory_space<hbm>>
    %dma_wait3A_350 = tpu.memref_slice %arg4[%add3A_203] : memref<8388608xf32, #tpu.memory_space<hbm>> -> memref<8192xf32, #tpu.memory_space<hbm>>
    tpu.wait_dma2 semaphore(%arg15 : memref<!tpu.dma_semaphore, #tpu.memory_space<semaphore_mem>>) src(%arg13 : memref<8192xf32, #tpu.memory_space<vmem>>) dst(%dma_wait3A_350 : memref<8192xf32, #tpu.memory_space<hbm>>)
    %dma_wait3A_351 = tpu.memref_slice %arg4[%add3A_209] : memref<8388608xf32, #tpu.memory_space<hbm>> -> memref<8192xf32, #tpu.memory_space<hbm>>
    %dma_wait3A_352 = tpu.memref_slice %arg4[%add3A_209] : memref<8388608xf32, #tpu.memory_space<hbm>> -> memref<8192xf32, #tpu.memory_space<hbm>>
    tpu.wait_dma2 semaphore(%arg15 : memref<!tpu.dma_semaphore, #tpu.memory_space<semaphore_mem>>) src(%arg13 : memref<8192xf32, #tpu.memory_space<vmem>>) dst(%dma_wait3A_352 : memref<8192xf32, #tpu.memory_space<hbm>>)
    %dma_wait3A_353 = tpu.memref_slice %arg4[%add3A_215] : memref<8388608xf32, #tpu.memory_space<hbm>> -> memref<8192xf32, #tpu.memory_space<hbm>>
    %dma_wait3A_354 = tpu.memref_slice %arg4[%add3A_215] : memref<8388608xf32, #tpu.memory_space<hbm>> -> memref<8192xf32, #tpu.memory_space<hbm>>
    tpu.wait_dma2 semaphore(%arg15 : memref<!tpu.dma_semaphore, #tpu.memory_space<semaphore_mem>>) src(%arg13 : memref<8192xf32, #tpu.memory_space<vmem>>) dst(%dma_wait3A_354 : memref<8192xf32, #tpu.memory_space<hbm>>)
    %dma_wait3A_355 = tpu.memref_slice %arg4[%add3A_221] : memref<8388608xf32, #tpu.memory_space<hbm>> -> memref<8192xf32, #tpu.memory_space<hbm>>
    %dma_wait3A_356 = tpu.memref_slice %arg4[%add3A_221] : memref<8388608xf32, #tpu.memory_space<hbm>> -> memref<8192xf32, #tpu.memory_space<hbm>>
    tpu.wait_dma2 semaphore(%arg15 : memref<!tpu.dma_semaphore, #tpu.memory_space<semaphore_mem>>) src(%arg13 : memref<8192xf32, #tpu.memory_space<vmem>>) dst(%dma_wait3A_356 : memref<8192xf32, #tpu.memory_space<hbm>>)
    %dma_wait3A_357 = tpu.memref_slice %arg4[%add3A_227] : memref<8388608xf32, #tpu.memory_space<hbm>> -> memref<8192xf32, #tpu.memory_space<hbm>>
    %dma_wait3A_358 = tpu.memref_slice %arg4[%add3A_227] : memref<8388608xf32, #tpu.memory_space<hbm>> -> memref<8192xf32, #tpu.memory_space<hbm>>
    tpu.wait_dma2 semaphore(%arg15 : memref<!tpu.dma_semaphore, #tpu.memory_space<semaphore_mem>>) src(%arg13 : memref<8192xf32, #tpu.memory_space<vmem>>) dst(%dma_wait3A_358 : memref<8192xf32, #tpu.memory_space<hbm>>)
    %dma_wait3A_359 = tpu.memref_slice %arg4[%add3A_233] : memref<8388608xf32, #tpu.memory_space<hbm>> -> memref<8192xf32, #tpu.memory_space<hbm>>
    %dma_wait3A_360 = tpu.memref_slice %arg4[%add3A_233] : memref<8388608xf32, #tpu.memory_space<hbm>> -> memref<8192xf32, #tpu.memory_space<hbm>>
    tpu.wait_dma2 semaphore(%arg15 : memref<!tpu.dma_semaphore, #tpu.memory_space<semaphore_mem>>) src(%arg13 : memref<8192xf32, #tpu.memory_space<vmem>>) dst(%dma_wait3A_360 : memref<8192xf32, #tpu.memory_space<hbm>>)
    %dma_wait3A_361 = tpu.memref_slice %arg4[%add3A_239] : memref<8388608xf32, #tpu.memory_space<hbm>> -> memref<8192xf32, #tpu.memory_space<hbm>>
    %dma_wait3A_362 = tpu.memref_slice %arg4[%add3A_239] : memref<8388608xf32, #tpu.memory_space<hbm>> -> memref<8192xf32, #tpu.memory_space<hbm>>
    tpu.wait_dma2 semaphore(%arg15 : memref<!tpu.dma_semaphore, #tpu.memory_space<semaphore_mem>>) src(%arg13 : memref<8192xf32, #tpu.memory_space<vmem>>) dst(%dma_wait3A_362 : memref<8192xf32, #tpu.memory_space<hbm>>)
    %dma_wait3A_363 = tpu.memref_slice %arg4[%add3A_245] : memref<8388608xf32, #tpu.memory_space<hbm>> -> memref<8192xf32, #tpu.memory_space<hbm>>
    %dma_wait3A_364 = tpu.memref_slice %arg4[%add3A_245] : memref<8388608xf32, #tpu.memory_space<hbm>> -> memref<8192xf32, #tpu.memory_space<hbm>>
    tpu.wait_dma2 semaphore(%arg15 : memref<!tpu.dma_semaphore, #tpu.memory_space<semaphore_mem>>) src(%arg13 : memref<8192xf32, #tpu.memory_space<vmem>>) dst(%dma_wait3A_364 : memref<8192xf32, #tpu.memory_space<hbm>>)
    %dma_wait3A_365 = tpu.memref_slice %arg4[%add3A_251] : memref<8388608xf32, #tpu.memory_space<hbm>> -> memref<8192xf32, #tpu.memory_space<hbm>>
    %dma_wait3A_366 = tpu.memref_slice %arg4[%add3A_251] : memref<8388608xf32, #tpu.memory_space<hbm>> -> memref<8192xf32, #tpu.memory_space<hbm>>
    tpu.wait_dma2 semaphore(%arg15 : memref<!tpu.dma_semaphore, #tpu.memory_space<semaphore_mem>>) src(%arg13 : memref<8192xf32, #tpu.memory_space<vmem>>) dst(%dma_wait3A_366 : memref<8192xf32, #tpu.memory_space<hbm>>)
    %dma_wait3A_367 = tpu.memref_slice %arg4[%add3A_257] : memref<8388608xf32, #tpu.memory_space<hbm>> -> memref<8192xf32, #tpu.memory_space<hbm>>
    %dma_wait3A_368 = tpu.memref_slice %arg4[%add3A_257] : memref<8388608xf32, #tpu.memory_space<hbm>> -> memref<8192xf32, #tpu.memory_space<hbm>>
    tpu.wait_dma2 semaphore(%arg15 : memref<!tpu.dma_semaphore, #tpu.memory_space<semaphore_mem>>) src(%arg13 : memref<8192xf32, #tpu.memory_space<vmem>>) dst(%dma_wait3A_368 : memref<8192xf32, #tpu.memory_space<hbm>>)
    %dma_wait3A_369 = tpu.memref_slice %arg4[%add3A_263] : memref<8388608xf32, #tpu.memory_space<hbm>> -> memref<8192xf32, #tpu.memory_space<hbm>>
    %dma_wait3A_370 = tpu.memref_slice %arg4[%add3A_263] : memref<8388608xf32, #tpu.memory_space<hbm>> -> memref<8192xf32, #tpu.memory_space<hbm>>
    tpu.wait_dma2 semaphore(%arg15 : memref<!tpu.dma_semaphore, #tpu.memory_space<semaphore_mem>>) src(%arg13 : memref<8192xf32, #tpu.memory_space<vmem>>) dst(%dma_wait3A_370 : memref<8192xf32, #tpu.memory_space<hbm>>)
    %dma_wait3A_371 = tpu.memref_slice %arg4[%add3A_269] : memref<8388608xf32, #tpu.memory_space<hbm>> -> memref<8192xf32, #tpu.memory_space<hbm>>
    %dma_wait3A_372 = tpu.memref_slice %arg4[%add3A_269] : memref<8388608xf32, #tpu.memory_space<hbm>> -> memref<8192xf32, #tpu.memory_space<hbm>>
    tpu.wait_dma2 semaphore(%arg15 : memref<!tpu.dma_semaphore, #tpu.memory_space<semaphore_mem>>) src(%arg13 : memref<8192xf32, #tpu.memory_space<vmem>>) dst(%dma_wait3A_372 : memref<8192xf32, #tpu.memory_space<hbm>>)
    %dma_wait3A_373 = tpu.memref_slice %arg4[%add3A_275] : memref<8388608xf32, #tpu.memory_space<hbm>> -> memref<8192xf32, #tpu.memory_space<hbm>>
    %dma_wait3A_374 = tpu.memref_slice %arg4[%add3A_275] : memref<8388608xf32, #tpu.memory_space<hbm>> -> memref<8192xf32, #tpu.memory_space<hbm>>
    tpu.wait_dma2 semaphore(%arg15 : memref<!tpu.dma_semaphore, #tpu.memory_space<semaphore_mem>>) src(%arg13 : memref<8192xf32, #tpu.memory_space<vmem>>) dst(%dma_wait3A_374 : memref<8192xf32, #tpu.memory_space<hbm>>)
    %dma_wait3A_375 = tpu.memref_slice %arg4[%add3A_281] : memref<8388608xf32, #tpu.memory_space<hbm>> -> memref<8192xf32, #tpu.memory_space<hbm>>
    %dma_wait3A_376 = tpu.memref_slice %arg4[%add3A_281] : memref<8388608xf32, #tpu.memory_space<hbm>> -> memref<8192xf32, #tpu.memory_space<hbm>>
    tpu.wait_dma2 semaphore(%arg15 : memref<!tpu.dma_semaphore, #tpu.memory_space<semaphore_mem>>) src(%arg13 : memref<8192xf32, #tpu.memory_space<vmem>>) dst(%dma_wait3A_376 : memref<8192xf32, #tpu.memory_space<hbm>>)
    %barrier3A = arith.constant 0 : index
    tpu.barrier barrier_id(%barrier3A)
    %dma_start3A_377 = arith.constant 0 : i32
    %dma_start3A_378 = arith.constant 0 : i32
    "tpu.trace_stop"() : () -> ()
    "tpu.trace_start"() <{level = 10 : i32, message = "p7_scatter"}> : () -> ()
    %dma_start3A_379 = arith.constant 0 : i32
    %dma_start3A_380 = tpu.memref_slice %arg10[%dma_start3A_377, %dma_start3A_379] : memref<16x128xf32, #tpu.memory_space<vmem>> -> memref<1x128xf32, #tpu.memory_space<vmem>>
    %dma_start3A_381 = tpu.memref_squeeze %dma_start3A_380 : memref<1x128xf32, #tpu.memory_space<vmem>> -> memref<128xf32, #tpu.memory_space<vmem>>
    %dma_start3A_382 = arith.constant 0 : i32
    %dma_start3A_383 = tpu.memref_slice %arg9[%dma_start3A_378, %dma_start3A_382] : memref<16x128xi32, #tpu.memory_space<vmem>> -> memref<1x128xi32, #tpu.memory_space<vmem>>
    %dma_start3A_384 = tpu.memref_squeeze %dma_start3A_383 : memref<1x128xi32, #tpu.memory_space<vmem>> -> memref<128xi32, #tpu.memory_space<vmem>>
    %dma_start3A_385 = arith.constant 0 : i32
    %dma_start3A_386 = tpu.memref_slice %arg4[%dma_start3A_385] : memref<8388608xf32, #tpu.memory_space<hbm>> -> memref<8388608xf32, #tpu.memory_space<hbm>>
    tpu.enqueue_indirect_dma source(%dma_start3A_381 : memref<128xf32, #tpu.memory_space<vmem>>) target(%dma_start3A_386 : memref<8388608xf32, #tpu.memory_space<hbm>>) offsets(%dma_start3A_384 : memref<128xi32, #tpu.memory_space<vmem>>) semaphore(%arg16 : memref<!tpu.dma_semaphore, #tpu.memory_space<semaphore_mem>>)
    %dma_start3A_387 = arith.constant 1 : i32
    %dma_start3A_388 = arith.constant 1 : i32
    %dma_start3A_389 = arith.constant 0 : i32
    %dma_start3A_390 = tpu.memref_slice %arg10[%dma_start3A_387, %dma_start3A_389] : memref<16x128xf32, #tpu.memory_space<vmem>> -> memref<1x128xf32, #tpu.memory_space<vmem>>
    %dma_start3A_391 = tpu.memref_squeeze %dma_start3A_390 : memref<1x128xf32, #tpu.memory_space<vmem>> -> memref<128xf32, #tpu.memory_space<vmem>>
    %dma_start3A_392 = arith.constant 0 : i32
    %dma_start3A_393 = tpu.memref_slice %arg9[%dma_start3A_388, %dma_start3A_392] : memref<16x128xi32, #tpu.memory_space<vmem>> -> memref<1x128xi32, #tpu.memory_space<vmem>>
    %dma_start3A_394 = tpu.memref_squeeze %dma_start3A_393 : memref<1x128xi32, #tpu.memory_space<vmem>> -> memref<128xi32, #tpu.memory_space<vmem>>
    %dma_start3A_395 = arith.constant 0 : i32
    %dma_start3A_396 = tpu.memref_slice %arg4[%dma_start3A_395] : memref<8388608xf32, #tpu.memory_space<hbm>> -> memref<8388608xf32, #tpu.memory_space<hbm>>
    tpu.enqueue_indirect_dma source(%dma_start3A_391 : memref<128xf32, #tpu.memory_space<vmem>>) target(%dma_start3A_396 : memref<8388608xf32, #tpu.memory_space<hbm>>) offsets(%dma_start3A_394 : memref<128xi32, #tpu.memory_space<vmem>>) semaphore(%arg16 : memref<!tpu.dma_semaphore, #tpu.memory_space<semaphore_mem>>)
    %dma_start3A_397 = arith.constant 2 : i32
    %dma_start3A_398 = arith.constant 2 : i32
    %dma_start3A_399 = arith.constant 0 : i32
    %dma_start3A_400 = tpu.memref_slice %arg10[%dma_start3A_397, %dma_start3A_399] : memref<16x128xf32, #tpu.memory_space<vmem>> -> memref<1x128xf32, #tpu.memory_space<vmem>>
    %dma_start3A_401 = tpu.memref_squeeze %dma_start3A_400 : memref<1x128xf32, #tpu.memory_space<vmem>> -> memref<128xf32, #tpu.memory_space<vmem>>
    %dma_start3A_402 = arith.constant 0 : i32
    %dma_start3A_403 = tpu.memref_slice %arg9[%dma_start3A_398, %dma_start3A_402] : memref<16x128xi32, #tpu.memory_space<vmem>> -> memref<1x128xi32, #tpu.memory_space<vmem>>
    %dma_start3A_404 = tpu.memref_squeeze %dma_start3A_403 : memref<1x128xi32, #tpu.memory_space<vmem>> -> memref<128xi32, #tpu.memory_space<vmem>>
    %dma_start3A_405 = arith.constant 0 : i32
    %dma_start3A_406 = tpu.memref_slice %arg4[%dma_start3A_405] : memref<8388608xf32, #tpu.memory_space<hbm>> -> memref<8388608xf32, #tpu.memory_space<hbm>>
    tpu.enqueue_indirect_dma source(%dma_start3A_401 : memref<128xf32, #tpu.memory_space<vmem>>) target(%dma_start3A_406 : memref<8388608xf32, #tpu.memory_space<hbm>>) offsets(%dma_start3A_404 : memref<128xi32, #tpu.memory_space<vmem>>) semaphore(%arg16 : memref<!tpu.dma_semaphore, #tpu.memory_space<semaphore_mem>>)
    %dma_start3A_407 = arith.constant 3 : i32
    %dma_start3A_408 = arith.constant 3 : i32
    %dma_start3A_409 = arith.constant 0 : i32
    %dma_start3A_410 = tpu.memref_slice %arg10[%dma_start3A_407, %dma_start3A_409] : memref<16x128xf32, #tpu.memory_space<vmem>> -> memref<1x128xf32, #tpu.memory_space<vmem>>
    %dma_start3A_411 = tpu.memref_squeeze %dma_start3A_410 : memref<1x128xf32, #tpu.memory_space<vmem>> -> memref<128xf32, #tpu.memory_space<vmem>>
    %dma_start3A_412 = arith.constant 0 : i32
    %dma_start3A_413 = tpu.memref_slice %arg9[%dma_start3A_408, %dma_start3A_412] : memref<16x128xi32, #tpu.memory_space<vmem>> -> memref<1x128xi32, #tpu.memory_space<vmem>>
    %dma_start3A_414 = tpu.memref_squeeze %dma_start3A_413 : memref<1x128xi32, #tpu.memory_space<vmem>> -> memref<128xi32, #tpu.memory_space<vmem>>
    %dma_start3A_415 = arith.constant 0 : i32
    %dma_start3A_416 = tpu.memref_slice %arg4[%dma_start3A_415] : memref<8388608xf32, #tpu.memory_space<hbm>> -> memref<8388608xf32, #tpu.memory_space<hbm>>
    tpu.enqueue_indirect_dma source(%dma_start3A_411 : memref<128xf32, #tpu.memory_space<vmem>>) target(%dma_start3A_416 : memref<8388608xf32, #tpu.memory_space<hbm>>) offsets(%dma_start3A_414 : memref<128xi32, #tpu.memory_space<vmem>>) semaphore(%arg16 : memref<!tpu.dma_semaphore, #tpu.memory_space<semaphore_mem>>)
    %dma_start3A_417 = arith.constant 4 : i32
    %dma_start3A_418 = arith.constant 4 : i32
    %dma_start3A_419 = arith.constant 0 : i32
    %dma_start3A_420 = tpu.memref_slice %arg10[%dma_start3A_417, %dma_start3A_419] : memref<16x128xf32, #tpu.memory_space<vmem>> -> memref<1x128xf32, #tpu.memory_space<vmem>>
    %dma_start3A_421 = tpu.memref_squeeze %dma_start3A_420 : memref<1x128xf32, #tpu.memory_space<vmem>> -> memref<128xf32, #tpu.memory_space<vmem>>
    %dma_start3A_422 = arith.constant 0 : i32
    %dma_start3A_423 = tpu.memref_slice %arg9[%dma_start3A_418, %dma_start3A_422] : memref<16x128xi32, #tpu.memory_space<vmem>> -> memref<1x128xi32, #tpu.memory_space<vmem>>
    %dma_start3A_424 = tpu.memref_squeeze %dma_start3A_423 : memref<1x128xi32, #tpu.memory_space<vmem>> -> memref<128xi32, #tpu.memory_space<vmem>>
    %dma_start3A_425 = arith.constant 0 : i32
    %dma_start3A_426 = tpu.memref_slice %arg4[%dma_start3A_425] : memref<8388608xf32, #tpu.memory_space<hbm>> -> memref<8388608xf32, #tpu.memory_space<hbm>>
    tpu.enqueue_indirect_dma source(%dma_start3A_421 : memref<128xf32, #tpu.memory_space<vmem>>) target(%dma_start3A_426 : memref<8388608xf32, #tpu.memory_space<hbm>>) offsets(%dma_start3A_424 : memref<128xi32, #tpu.memory_space<vmem>>) semaphore(%arg16 : memref<!tpu.dma_semaphore, #tpu.memory_space<semaphore_mem>>)
    %dma_start3A_427 = arith.constant 5 : i32
    %dma_start3A_428 = arith.constant 5 : i32
    %dma_start3A_429 = arith.constant 0 : i32
    %dma_start3A_430 = tpu.memref_slice %arg10[%dma_start3A_427, %dma_start3A_429] : memref<16x128xf32, #tpu.memory_space<vmem>> -> memref<1x128xf32, #tpu.memory_space<vmem>>
    %dma_start3A_431 = tpu.memref_squeeze %dma_start3A_430 : memref<1x128xf32, #tpu.memory_space<vmem>> -> memref<128xf32, #tpu.memory_space<vmem>>
    %dma_start3A_432 = arith.constant 0 : i32
    %dma_start3A_433 = tpu.memref_slice %arg9[%dma_start3A_428, %dma_start3A_432] : memref<16x128xi32, #tpu.memory_space<vmem>> -> memref<1x128xi32, #tpu.memory_space<vmem>>
    %dma_start3A_434 = tpu.memref_squeeze %dma_start3A_433 : memref<1x128xi32, #tpu.memory_space<vmem>> -> memref<128xi32, #tpu.memory_space<vmem>>
    %dma_start3A_435 = arith.constant 0 : i32
    %dma_start3A_436 = tpu.memref_slice %arg4[%dma_start3A_435] : memref<8388608xf32, #tpu.memory_space<hbm>> -> memref<8388608xf32, #tpu.memory_space<hbm>>
    tpu.enqueue_indirect_dma source(%dma_start3A_431 : memref<128xf32, #tpu.memory_space<vmem>>) target(%dma_start3A_436 : memref<8388608xf32, #tpu.memory_space<hbm>>) offsets(%dma_start3A_434 : memref<128xi32, #tpu.memory_space<vmem>>) semaphore(%arg16 : memref<!tpu.dma_semaphore, #tpu.memory_space<semaphore_mem>>)
    %dma_start3A_437 = arith.constant 6 : i32
    %dma_start3A_438 = arith.constant 6 : i32
    %dma_start3A_439 = arith.constant 0 : i32
    %dma_start3A_440 = tpu.memref_slice %arg10[%dma_start3A_437, %dma_start3A_439] : memref<16x128xf32, #tpu.memory_space<vmem>> -> memref<1x128xf32, #tpu.memory_space<vmem>>
    %dma_start3A_441 = tpu.memref_squeeze %dma_start3A_440 : memref<1x128xf32, #tpu.memory_space<vmem>> -> memref<128xf32, #tpu.memory_space<vmem>>
    %dma_start3A_442 = arith.constant 0 : i32
    %dma_start3A_443 = tpu.memref_slice %arg9[%dma_start3A_438, %dma_start3A_442] : memref<16x128xi32, #tpu.memory_space<vmem>> -> memref<1x128xi32, #tpu.memory_space<vmem>>
    %dma_start3A_444 = tpu.memref_squeeze %dma_start3A_443 : memref<1x128xi32, #tpu.memory_space<vmem>> -> memref<128xi32, #tpu.memory_space<vmem>>
    %dma_start3A_445 = arith.constant 0 : i32
    %dma_start3A_446 = tpu.memref_slice %arg4[%dma_start3A_445] : memref<8388608xf32, #tpu.memory_space<hbm>> -> memref<8388608xf32, #tpu.memory_space<hbm>>
    tpu.enqueue_indirect_dma source(%dma_start3A_441 : memref<128xf32, #tpu.memory_space<vmem>>) target(%dma_start3A_446 : memref<8388608xf32, #tpu.memory_space<hbm>>) offsets(%dma_start3A_444 : memref<128xi32, #tpu.memory_space<vmem>>) semaphore(%arg16 : memref<!tpu.dma_semaphore, #tpu.memory_space<semaphore_mem>>)
    %dma_start3A_447 = arith.constant 7 : i32
    %dma_start3A_448 = arith.constant 7 : i32
    %dma_start3A_449 = arith.constant 0 : i32
    %dma_start3A_450 = tpu.memref_slice %arg10[%dma_start3A_447, %dma_start3A_449] : memref<16x128xf32, #tpu.memory_space<vmem>> -> memref<1x128xf32, #tpu.memory_space<vmem>>
    %dma_start3A_451 = tpu.memref_squeeze %dma_start3A_450 : memref<1x128xf32, #tpu.memory_space<vmem>> -> memref<128xf32, #tpu.memory_space<vmem>>
    %dma_start3A_452 = arith.constant 0 : i32
    %dma_start3A_453 = tpu.memref_slice %arg9[%dma_start3A_448, %dma_start3A_452] : memref<16x128xi32, #tpu.memory_space<vmem>> -> memref<1x128xi32, #tpu.memory_space<vmem>>
    %dma_start3A_454 = tpu.memref_squeeze %dma_start3A_453 : memref<1x128xi32, #tpu.memory_space<vmem>> -> memref<128xi32, #tpu.memory_space<vmem>>
    %dma_start3A_455 = arith.constant 0 : i32
    %dma_start3A_456 = tpu.memref_slice %arg4[%dma_start3A_455] : memref<8388608xf32, #tpu.memory_space<hbm>> -> memref<8388608xf32, #tpu.memory_space<hbm>>
    tpu.enqueue_indirect_dma source(%dma_start3A_451 : memref<128xf32, #tpu.memory_space<vmem>>) target(%dma_start3A_456 : memref<8388608xf32, #tpu.memory_space<hbm>>) offsets(%dma_start3A_454 : memref<128xi32, #tpu.memory_space<vmem>>) semaphore(%arg16 : memref<!tpu.dma_semaphore, #tpu.memory_space<semaphore_mem>>)
    %dma_start3A_457 = arith.constant 8 : i32
    %dma_start3A_458 = arith.constant 8 : i32
    %dma_start3A_459 = arith.constant 0 : i32
    %dma_start3A_460 = tpu.memref_slice %arg10[%dma_start3A_457, %dma_start3A_459] : memref<16x128xf32, #tpu.memory_space<vmem>> -> memref<1x128xf32, #tpu.memory_space<vmem>>
    %dma_start3A_461 = tpu.memref_squeeze %dma_start3A_460 : memref<1x128xf32, #tpu.memory_space<vmem>> -> memref<128xf32, #tpu.memory_space<vmem>>
    %dma_start3A_462 = arith.constant 0 : i32
    %dma_start3A_463 = tpu.memref_slice %arg9[%dma_start3A_458, %dma_start3A_462] : memref<16x128xi32, #tpu.memory_space<vmem>> -> memref<1x128xi32, #tpu.memory_space<vmem>>
    %dma_start3A_464 = tpu.memref_squeeze %dma_start3A_463 : memref<1x128xi32, #tpu.memory_space<vmem>> -> memref<128xi32, #tpu.memory_space<vmem>>
    %dma_start3A_465 = arith.constant 0 : i32
    %dma_start3A_466 = tpu.memref_slice %arg4[%dma_start3A_465] : memref<8388608xf32, #tpu.memory_space<hbm>> -> memref<8388608xf32, #tpu.memory_space<hbm>>
    tpu.enqueue_indirect_dma source(%dma_start3A_461 : memref<128xf32, #tpu.memory_space<vmem>>) target(%dma_start3A_466 : memref<8388608xf32, #tpu.memory_space<hbm>>) offsets(%dma_start3A_464 : memref<128xi32, #tpu.memory_space<vmem>>) semaphore(%arg16 : memref<!tpu.dma_semaphore, #tpu.memory_space<semaphore_mem>>)
    %dma_start3A_467 = arith.constant 9 : i32
    %dma_start3A_468 = arith.constant 9 : i32
    %dma_start3A_469 = arith.constant 0 : i32
    %dma_start3A_470 = tpu.memref_slice %arg10[%dma_start3A_467, %dma_start3A_469] : memref<16x128xf32, #tpu.memory_space<vmem>> -> memref<1x128xf32, #tpu.memory_space<vmem>>
    %dma_start3A_471 = tpu.memref_squeeze %dma_start3A_470 : memref<1x128xf32, #tpu.memory_space<vmem>> -> memref<128xf32, #tpu.memory_space<vmem>>
    %dma_start3A_472 = arith.constant 0 : i32
    %dma_start3A_473 = tpu.memref_slice %arg9[%dma_start3A_468, %dma_start3A_472] : memref<16x128xi32, #tpu.memory_space<vmem>> -> memref<1x128xi32, #tpu.memory_space<vmem>>
    %dma_start3A_474 = tpu.memref_squeeze %dma_start3A_473 : memref<1x128xi32, #tpu.memory_space<vmem>> -> memref<128xi32, #tpu.memory_space<vmem>>
    %dma_start3A_475 = arith.constant 0 : i32
    %dma_start3A_476 = tpu.memref_slice %arg4[%dma_start3A_475] : memref<8388608xf32, #tpu.memory_space<hbm>> -> memref<8388608xf32, #tpu.memory_space<hbm>>
    tpu.enqueue_indirect_dma source(%dma_start3A_471 : memref<128xf32, #tpu.memory_space<vmem>>) target(%dma_start3A_476 : memref<8388608xf32, #tpu.memory_space<hbm>>) offsets(%dma_start3A_474 : memref<128xi32, #tpu.memory_space<vmem>>) semaphore(%arg16 : memref<!tpu.dma_semaphore, #tpu.memory_space<semaphore_mem>>)
    %dma_start3A_477 = arith.constant 10 : i32
    %dma_start3A_478 = arith.constant 10 : i32
    %dma_start3A_479 = arith.constant 0 : i32
    %dma_start3A_480 = tpu.memref_slice %arg10[%dma_start3A_477, %dma_start3A_479] : memref<16x128xf32, #tpu.memory_space<vmem>> -> memref<1x128xf32, #tpu.memory_space<vmem>>
    %dma_start3A_481 = tpu.memref_squeeze %dma_start3A_480 : memref<1x128xf32, #tpu.memory_space<vmem>> -> memref<128xf32, #tpu.memory_space<vmem>>
    %dma_start3A_482 = arith.constant 0 : i32
    %dma_start3A_483 = tpu.memref_slice %arg9[%dma_start3A_478, %dma_start3A_482] : memref<16x128xi32, #tpu.memory_space<vmem>> -> memref<1x128xi32, #tpu.memory_space<vmem>>
    %dma_start3A_484 = tpu.memref_squeeze %dma_start3A_483 : memref<1x128xi32, #tpu.memory_space<vmem>> -> memref<128xi32, #tpu.memory_space<vmem>>
    %dma_start3A_485 = arith.constant 0 : i32
    %dma_start3A_486 = tpu.memref_slice %arg4[%dma_start3A_485] : memref<8388608xf32, #tpu.memory_space<hbm>> -> memref<8388608xf32, #tpu.memory_space<hbm>>
    tpu.enqueue_indirect_dma source(%dma_start3A_481 : memref<128xf32, #tpu.memory_space<vmem>>) target(%dma_start3A_486 : memref<8388608xf32, #tpu.memory_space<hbm>>) offsets(%dma_start3A_484 : memref<128xi32, #tpu.memory_space<vmem>>) semaphore(%arg16 : memref<!tpu.dma_semaphore, #tpu.memory_space<semaphore_mem>>)
    %dma_start3A_487 = arith.constant 11 : i32
    %dma_start3A_488 = arith.constant 11 : i32
    %dma_start3A_489 = arith.constant 0 : i32
    %dma_start3A_490 = tpu.memref_slice %arg10[%dma_start3A_487, %dma_start3A_489] : memref<16x128xf32, #tpu.memory_space<vmem>> -> memref<1x128xf32, #tpu.memory_space<vmem>>
    %dma_start3A_491 = tpu.memref_squeeze %dma_start3A_490 : memref<1x128xf32, #tpu.memory_space<vmem>> -> memref<128xf32, #tpu.memory_space<vmem>>
    %dma_start3A_492 = arith.constant 0 : i32
    %dma_start3A_493 = tpu.memref_slice %arg9[%dma_start3A_488, %dma_start3A_492] : memref<16x128xi32, #tpu.memory_space<vmem>> -> memref<1x128xi32, #tpu.memory_space<vmem>>
    %dma_start3A_494 = tpu.memref_squeeze %dma_start3A_493 : memref<1x128xi32, #tpu.memory_space<vmem>> -> memref<128xi32, #tpu.memory_space<vmem>>
    %dma_start3A_495 = arith.constant 0 : i32
    %dma_start3A_496 = tpu.memref_slice %arg4[%dma_start3A_495] : memref<8388608xf32, #tpu.memory_space<hbm>> -> memref<8388608xf32, #tpu.memory_space<hbm>>
    tpu.enqueue_indirect_dma source(%dma_start3A_491 : memref<128xf32, #tpu.memory_space<vmem>>) target(%dma_start3A_496 : memref<8388608xf32, #tpu.memory_space<hbm>>) offsets(%dma_start3A_494 : memref<128xi32, #tpu.memory_space<vmem>>) semaphore(%arg16 : memref<!tpu.dma_semaphore, #tpu.memory_space<semaphore_mem>>)
    %dma_start3A_497 = arith.constant 12 : i32
    %dma_start3A_498 = arith.constant 12 : i32
    %dma_start3A_499 = arith.constant 0 : i32
    %dma_start3A_500 = tpu.memref_slice %arg10[%dma_start3A_497, %dma_start3A_499] : memref<16x128xf32, #tpu.memory_space<vmem>> -> memref<1x128xf32, #tpu.memory_space<vmem>>
    %dma_start3A_501 = tpu.memref_squeeze %dma_start3A_500 : memref<1x128xf32, #tpu.memory_space<vmem>> -> memref<128xf32, #tpu.memory_space<vmem>>
    %dma_start3A_502 = arith.constant 0 : i32
    %dma_start3A_503 = tpu.memref_slice %arg9[%dma_start3A_498, %dma_start3A_502] : memref<16x128xi32, #tpu.memory_space<vmem>> -> memref<1x128xi32, #tpu.memory_space<vmem>>
    %dma_start3A_504 = tpu.memref_squeeze %dma_start3A_503 : memref<1x128xi32, #tpu.memory_space<vmem>> -> memref<128xi32, #tpu.memory_space<vmem>>
    %dma_start3A_505 = arith.constant 0 : i32
    %dma_start3A_506 = tpu.memref_slice %arg4[%dma_start3A_505] : memref<8388608xf32, #tpu.memory_space<hbm>> -> memref<8388608xf32, #tpu.memory_space<hbm>>
    tpu.enqueue_indirect_dma source(%dma_start3A_501 : memref<128xf32, #tpu.memory_space<vmem>>) target(%dma_start3A_506 : memref<8388608xf32, #tpu.memory_space<hbm>>) offsets(%dma_start3A_504 : memref<128xi32, #tpu.memory_space<vmem>>) semaphore(%arg16 : memref<!tpu.dma_semaphore, #tpu.memory_space<semaphore_mem>>)
    %dma_start3A_507 = arith.constant 13 : i32
    %dma_start3A_508 = arith.constant 13 : i32
    %dma_start3A_509 = arith.constant 0 : i32
    %dma_start3A_510 = tpu.memref_slice %arg10[%dma_start3A_507, %dma_start3A_509] : memref<16x128xf32, #tpu.memory_space<vmem>> -> memref<1x128xf32, #tpu.memory_space<vmem>>
    %dma_start3A_511 = tpu.memref_squeeze %dma_start3A_510 : memref<1x128xf32, #tpu.memory_space<vmem>> -> memref<128xf32, #tpu.memory_space<vmem>>
    %dma_start3A_512 = arith.constant 0 : i32
    %dma_start3A_513 = tpu.memref_slice %arg9[%dma_start3A_508, %dma_start3A_512] : memref<16x128xi32, #tpu.memory_space<vmem>> -> memref<1x128xi32, #tpu.memory_space<vmem>>
    %dma_start3A_514 = tpu.memref_squeeze %dma_start3A_513 : memref<1x128xi32, #tpu.memory_space<vmem>> -> memref<128xi32, #tpu.memory_space<vmem>>
    %dma_start3A_515 = arith.constant 0 : i32
    %dma_start3A_516 = tpu.memref_slice %arg4[%dma_start3A_515] : memref<8388608xf32, #tpu.memory_space<hbm>> -> memref<8388608xf32, #tpu.memory_space<hbm>>
    tpu.enqueue_indirect_dma source(%dma_start3A_511 : memref<128xf32, #tpu.memory_space<vmem>>) target(%dma_start3A_516 : memref<8388608xf32, #tpu.memory_space<hbm>>) offsets(%dma_start3A_514 : memref<128xi32, #tpu.memory_space<vmem>>) semaphore(%arg16 : memref<!tpu.dma_semaphore, #tpu.memory_space<semaphore_mem>>)
    %dma_start3A_517 = arith.constant 14 : i32
    %dma_start3A_518 = arith.constant 14 : i32
    %dma_start3A_519 = arith.constant 0 : i32
    %dma_start3A_520 = tpu.memref_slice %arg10[%dma_start3A_517, %dma_start3A_519] : memref<16x128xf32, #tpu.memory_space<vmem>> -> memref<1x128xf32, #tpu.memory_space<vmem>>
    %dma_start3A_521 = tpu.memref_squeeze %dma_start3A_520 : memref<1x128xf32, #tpu.memory_space<vmem>> -> memref<128xf32, #tpu.memory_space<vmem>>
    %dma_start3A_522 = arith.constant 0 : i32
    %dma_start3A_523 = tpu.memref_slice %arg9[%dma_start3A_518, %dma_start3A_522] : memref<16x128xi32, #tpu.memory_space<vmem>> -> memref<1x128xi32, #tpu.memory_space<vmem>>
    %dma_start3A_524 = tpu.memref_squeeze %dma_start3A_523 : memref<1x128xi32, #tpu.memory_space<vmem>> -> memref<128xi32, #tpu.memory_space<vmem>>
    %dma_start3A_525 = arith.constant 0 : i32
    %dma_start3A_526 = tpu.memref_slice %arg4[%dma_start3A_525] : memref<8388608xf32, #tpu.memory_space<hbm>> -> memref<8388608xf32, #tpu.memory_space<hbm>>
    tpu.enqueue_indirect_dma source(%dma_start3A_521 : memref<128xf32, #tpu.memory_space<vmem>>) target(%dma_start3A_526 : memref<8388608xf32, #tpu.memory_space<hbm>>) offsets(%dma_start3A_524 : memref<128xi32, #tpu.memory_space<vmem>>) semaphore(%arg16 : memref<!tpu.dma_semaphore, #tpu.memory_space<semaphore_mem>>)
    %dma_start3A_527 = arith.constant 15 : i32
    %dma_start3A_528 = arith.constant 15 : i32
    %dma_start3A_529 = arith.constant 0 : i32
    %dma_start3A_530 = tpu.memref_slice %arg10[%dma_start3A_527, %dma_start3A_529] : memref<16x128xf32, #tpu.memory_space<vmem>> -> memref<1x128xf32, #tpu.memory_space<vmem>>
    %dma_start3A_531 = tpu.memref_squeeze %dma_start3A_530 : memref<1x128xf32, #tpu.memory_space<vmem>> -> memref<128xf32, #tpu.memory_space<vmem>>
    %dma_start3A_532 = arith.constant 0 : i32
    %dma_start3A_533 = tpu.memref_slice %arg9[%dma_start3A_528, %dma_start3A_532] : memref<16x128xi32, #tpu.memory_space<vmem>> -> memref<1x128xi32, #tpu.memory_space<vmem>>
    %dma_start3A_534 = tpu.memref_squeeze %dma_start3A_533 : memref<1x128xi32, #tpu.memory_space<vmem>> -> memref<128xi32, #tpu.memory_space<vmem>>
    %dma_start3A_535 = arith.constant 0 : i32
    %dma_start3A_536 = tpu.memref_slice %arg4[%dma_start3A_535] : memref<8388608xf32, #tpu.memory_space<hbm>> -> memref<8388608xf32, #tpu.memory_space<hbm>>
    tpu.enqueue_indirect_dma source(%dma_start3A_531 : memref<128xf32, #tpu.memory_space<vmem>>) target(%dma_start3A_536 : memref<8388608xf32, #tpu.memory_space<hbm>>) offsets(%dma_start3A_534 : memref<128xi32, #tpu.memory_space<vmem>>) semaphore(%arg16 : memref<!tpu.dma_semaphore, #tpu.memory_space<semaphore_mem>>)
    %dma_wait3A_537 = arith.constant 0 : i32
    %dma_wait3A_538 = arith.constant 0 : i32
    %dma_wait3A_539 = arith.constant 0 : i32
    %dma_wait3A_540 = tpu.memref_slice %arg10[%dma_wait3A_537, %dma_wait3A_539] : memref<16x128xf32, #tpu.memory_space<vmem>> -> memref<1x128xf32, #tpu.memory_space<vmem>>
    %dma_wait3A_541 = tpu.memref_squeeze %dma_wait3A_540 : memref<1x128xf32, #tpu.memory_space<vmem>> -> memref<128xf32, #tpu.memory_space<vmem>>
    %dma_wait3A_542 = arith.constant 0 : i32
    %dma_wait3A_543 = tpu.memref_slice %arg9[%dma_wait3A_538, %dma_wait3A_542] : memref<16x128xi32, #tpu.memory_space<vmem>> -> memref<1x128xi32, #tpu.memory_space<vmem>>
    %dma_wait3A_544 = tpu.memref_squeeze %dma_wait3A_543 : memref<1x128xi32, #tpu.memory_space<vmem>> -> memref<128xi32, #tpu.memory_space<vmem>>
    %dma_wait3A_545 = arith.constant 0 : i32
    %dma_wait3A_546 = tpu.memref_slice %arg4[%dma_wait3A_545] : memref<8388608xf32, #tpu.memory_space<hbm>> -> memref<8388608xf32, #tpu.memory_space<hbm>>
    tpu.wait_indirect_dma semaphore(%arg16 : memref<!tpu.dma_semaphore, #tpu.memory_space<semaphore_mem>>) src(%dma_wait3A_541 : memref<128xf32, #tpu.memory_space<vmem>>) dst(%dma_wait3A_546 : memref<8388608xf32, #tpu.memory_space<hbm>>)
    %dma_wait3A_547 = arith.constant 1 : i32
    %dma_wait3A_548 = arith.constant 1 : i32
    %dma_wait3A_549 = arith.constant 0 : i32
    %dma_wait3A_550 = tpu.memref_slice %arg10[%dma_wait3A_547, %dma_wait3A_549] : memref<16x128xf32, #tpu.memory_space<vmem>> -> memref<1x128xf32, #tpu.memory_space<vmem>>
    %dma_wait3A_551 = tpu.memref_squeeze %dma_wait3A_550 : memref<1x128xf32, #tpu.memory_space<vmem>> -> memref<128xf32, #tpu.memory_space<vmem>>
    %dma_wait3A_552 = arith.constant 0 : i32
    %dma_wait3A_553 = tpu.memref_slice %arg9[%dma_wait3A_548, %dma_wait3A_552] : memref<16x128xi32, #tpu.memory_space<vmem>> -> memref<1x128xi32, #tpu.memory_space<vmem>>
    %dma_wait3A_554 = tpu.memref_squeeze %dma_wait3A_553 : memref<1x128xi32, #tpu.memory_space<vmem>> -> memref<128xi32, #tpu.memory_space<vmem>>
    %dma_wait3A_555 = arith.constant 0 : i32
    %dma_wait3A_556 = tpu.memref_slice %arg4[%dma_wait3A_555] : memref<8388608xf32, #tpu.memory_space<hbm>> -> memref<8388608xf32, #tpu.memory_space<hbm>>
    tpu.wait_indirect_dma semaphore(%arg16 : memref<!tpu.dma_semaphore, #tpu.memory_space<semaphore_mem>>) src(%dma_wait3A_551 : memref<128xf32, #tpu.memory_space<vmem>>) dst(%dma_wait3A_556 : memref<8388608xf32, #tpu.memory_space<hbm>>)
    %dma_wait3A_557 = arith.constant 2 : i32
    %dma_wait3A_558 = arith.constant 2 : i32
    %dma_wait3A_559 = arith.constant 0 : i32
    %dma_wait3A_560 = tpu.memref_slice %arg10[%dma_wait3A_557, %dma_wait3A_559] : memref<16x128xf32, #tpu.memory_space<vmem>> -> memref<1x128xf32, #tpu.memory_space<vmem>>
    %dma_wait3A_561 = tpu.memref_squeeze %dma_wait3A_560 : memref<1x128xf32, #tpu.memory_space<vmem>> -> memref<128xf32, #tpu.memory_space<vmem>>
    %dma_wait3A_562 = arith.constant 0 : i32
    %dma_wait3A_563 = tpu.memref_slice %arg9[%dma_wait3A_558, %dma_wait3A_562] : memref<16x128xi32, #tpu.memory_space<vmem>> -> memref<1x128xi32, #tpu.memory_space<vmem>>
    %dma_wait3A_564 = tpu.memref_squeeze %dma_wait3A_563 : memref<1x128xi32, #tpu.memory_space<vmem>> -> memref<128xi32, #tpu.memory_space<vmem>>
    %dma_wait3A_565 = arith.constant 0 : i32
    %dma_wait3A_566 = tpu.memref_slice %arg4[%dma_wait3A_565] : memref<8388608xf32, #tpu.memory_space<hbm>> -> memref<8388608xf32, #tpu.memory_space<hbm>>
    tpu.wait_indirect_dma semaphore(%arg16 : memref<!tpu.dma_semaphore, #tpu.memory_space<semaphore_mem>>) src(%dma_wait3A_561 : memref<128xf32, #tpu.memory_space<vmem>>) dst(%dma_wait3A_566 : memref<8388608xf32, #tpu.memory_space<hbm>>)
    %dma_wait3A_567 = arith.constant 3 : i32
    %dma_wait3A_568 = arith.constant 3 : i32
    %dma_wait3A_569 = arith.constant 0 : i32
    %dma_wait3A_570 = tpu.memref_slice %arg10[%dma_wait3A_567, %dma_wait3A_569] : memref<16x128xf32, #tpu.memory_space<vmem>> -> memref<1x128xf32, #tpu.memory_space<vmem>>
    %dma_wait3A_571 = tpu.memref_squeeze %dma_wait3A_570 : memref<1x128xf32, #tpu.memory_space<vmem>> -> memref<128xf32, #tpu.memory_space<vmem>>
    %dma_wait3A_572 = arith.constant 0 : i32
    %dma_wait3A_573 = tpu.memref_slice %arg9[%dma_wait3A_568, %dma_wait3A_572] : memref<16x128xi32, #tpu.memory_space<vmem>> -> memref<1x128xi32, #tpu.memory_space<vmem>>
    %dma_wait3A_574 = tpu.memref_squeeze %dma_wait3A_573 : memref<1x128xi32, #tpu.memory_space<vmem>> -> memref<128xi32, #tpu.memory_space<vmem>>
    %dma_wait3A_575 = arith.constant 0 : i32
    %dma_wait3A_576 = tpu.memref_slice %arg4[%dma_wait3A_575] : memref<8388608xf32, #tpu.memory_space<hbm>> -> memref<8388608xf32, #tpu.memory_space<hbm>>
    tpu.wait_indirect_dma semaphore(%arg16 : memref<!tpu.dma_semaphore, #tpu.memory_space<semaphore_mem>>) src(%dma_wait3A_571 : memref<128xf32, #tpu.memory_space<vmem>>) dst(%dma_wait3A_576 : memref<8388608xf32, #tpu.memory_space<hbm>>)
    %dma_wait3A_577 = arith.constant 4 : i32
    %dma_wait3A_578 = arith.constant 4 : i32
    %dma_wait3A_579 = arith.constant 0 : i32
    %dma_wait3A_580 = tpu.memref_slice %arg10[%dma_wait3A_577, %dma_wait3A_579] : memref<16x128xf32, #tpu.memory_space<vmem>> -> memref<1x128xf32, #tpu.memory_space<vmem>>
    %dma_wait3A_581 = tpu.memref_squeeze %dma_wait3A_580 : memref<1x128xf32, #tpu.memory_space<vmem>> -> memref<128xf32, #tpu.memory_space<vmem>>
    %dma_wait3A_582 = arith.constant 0 : i32
    %dma_wait3A_583 = tpu.memref_slice %arg9[%dma_wait3A_578, %dma_wait3A_582] : memref<16x128xi32, #tpu.memory_space<vmem>> -> memref<1x128xi32, #tpu.memory_space<vmem>>
    %dma_wait3A_584 = tpu.memref_squeeze %dma_wait3A_583 : memref<1x128xi32, #tpu.memory_space<vmem>> -> memref<128xi32, #tpu.memory_space<vmem>>
    %dma_wait3A_585 = arith.constant 0 : i32
    %dma_wait3A_586 = tpu.memref_slice %arg4[%dma_wait3A_585] : memref<8388608xf32, #tpu.memory_space<hbm>> -> memref<8388608xf32, #tpu.memory_space<hbm>>
    tpu.wait_indirect_dma semaphore(%arg16 : memref<!tpu.dma_semaphore, #tpu.memory_space<semaphore_mem>>) src(%dma_wait3A_581 : memref<128xf32, #tpu.memory_space<vmem>>) dst(%dma_wait3A_586 : memref<8388608xf32, #tpu.memory_space<hbm>>)
    %dma_wait3A_587 = arith.constant 5 : i32
    %dma_wait3A_588 = arith.constant 5 : i32
    %dma_wait3A_589 = arith.constant 0 : i32
    %dma_wait3A_590 = tpu.memref_slice %arg10[%dma_wait3A_587, %dma_wait3A_589] : memref<16x128xf32, #tpu.memory_space<vmem>> -> memref<1x128xf32, #tpu.memory_space<vmem>>
    %dma_wait3A_591 = tpu.memref_squeeze %dma_wait3A_590 : memref<1x128xf32, #tpu.memory_space<vmem>> -> memref<128xf32, #tpu.memory_space<vmem>>
    %dma_wait3A_592 = arith.constant 0 : i32
    %dma_wait3A_593 = tpu.memref_slice %arg9[%dma_wait3A_588, %dma_wait3A_592] : memref<16x128xi32, #tpu.memory_space<vmem>> -> memref<1x128xi32, #tpu.memory_space<vmem>>
    %dma_wait3A_594 = tpu.memref_squeeze %dma_wait3A_593 : memref<1x128xi32, #tpu.memory_space<vmem>> -> memref<128xi32, #tpu.memory_space<vmem>>
    %dma_wait3A_595 = arith.constant 0 : i32
    %dma_wait3A_596 = tpu.memref_slice %arg4[%dma_wait3A_595] : memref<8388608xf32, #tpu.memory_space<hbm>> -> memref<8388608xf32, #tpu.memory_space<hbm>>
    tpu.wait_indirect_dma semaphore(%arg16 : memref<!tpu.dma_semaphore, #tpu.memory_space<semaphore_mem>>) src(%dma_wait3A_591 : memref<128xf32, #tpu.memory_space<vmem>>) dst(%dma_wait3A_596 : memref<8388608xf32, #tpu.memory_space<hbm>>)
    %dma_wait3A_597 = arith.constant 6 : i32
    %dma_wait3A_598 = arith.constant 6 : i32
    %dma_wait3A_599 = arith.constant 0 : i32
    %dma_wait3A_600 = tpu.memref_slice %arg10[%dma_wait3A_597, %dma_wait3A_599] : memref<16x128xf32, #tpu.memory_space<vmem>> -> memref<1x128xf32, #tpu.memory_space<vmem>>
    %dma_wait3A_601 = tpu.memref_squeeze %dma_wait3A_600 : memref<1x128xf32, #tpu.memory_space<vmem>> -> memref<128xf32, #tpu.memory_space<vmem>>
    %dma_wait3A_602 = arith.constant 0 : i32
    %dma_wait3A_603 = tpu.memref_slice %arg9[%dma_wait3A_598, %dma_wait3A_602] : memref<16x128xi32, #tpu.memory_space<vmem>> -> memref<1x128xi32, #tpu.memory_space<vmem>>
    %dma_wait3A_604 = tpu.memref_squeeze %dma_wait3A_603 : memref<1x128xi32, #tpu.memory_space<vmem>> -> memref<128xi32, #tpu.memory_space<vmem>>
    %dma_wait3A_605 = arith.constant 0 : i32
    %dma_wait3A_606 = tpu.memref_slice %arg4[%dma_wait3A_605] : memref<8388608xf32, #tpu.memory_space<hbm>> -> memref<8388608xf32, #tpu.memory_space<hbm>>
    tpu.wait_indirect_dma semaphore(%arg16 : memref<!tpu.dma_semaphore, #tpu.memory_space<semaphore_mem>>) src(%dma_wait3A_601 : memref<128xf32, #tpu.memory_space<vmem>>) dst(%dma_wait3A_606 : memref<8388608xf32, #tpu.memory_space<hbm>>)
    %dma_wait3A_607 = arith.constant 7 : i32
    %dma_wait3A_608 = arith.constant 7 : i32
    %dma_wait3A_609 = arith.constant 0 : i32
    %dma_wait3A_610 = tpu.memref_slice %arg10[%dma_wait3A_607, %dma_wait3A_609] : memref<16x128xf32, #tpu.memory_space<vmem>> -> memref<1x128xf32, #tpu.memory_space<vmem>>
    %dma_wait3A_611 = tpu.memref_squeeze %dma_wait3A_610 : memref<1x128xf32, #tpu.memory_space<vmem>> -> memref<128xf32, #tpu.memory_space<vmem>>
    %dma_wait3A_612 = arith.constant 0 : i32
    %dma_wait3A_613 = tpu.memref_slice %arg9[%dma_wait3A_608, %dma_wait3A_612] : memref<16x128xi32, #tpu.memory_space<vmem>> -> memref<1x128xi32, #tpu.memory_space<vmem>>
    %dma_wait3A_614 = tpu.memref_squeeze %dma_wait3A_613 : memref<1x128xi32, #tpu.memory_space<vmem>> -> memref<128xi32, #tpu.memory_space<vmem>>
    %dma_wait3A_615 = arith.constant 0 : i32
    %dma_wait3A_616 = tpu.memref_slice %arg4[%dma_wait3A_615] : memref<8388608xf32, #tpu.memory_space<hbm>> -> memref<8388608xf32, #tpu.memory_space<hbm>>
    tpu.wait_indirect_dma semaphore(%arg16 : memref<!tpu.dma_semaphore, #tpu.memory_space<semaphore_mem>>) src(%dma_wait3A_611 : memref<128xf32, #tpu.memory_space<vmem>>) dst(%dma_wait3A_616 : memref<8388608xf32, #tpu.memory_space<hbm>>)
    %dma_wait3A_617 = arith.constant 8 : i32
    %dma_wait3A_618 = arith.constant 8 : i32
    %dma_wait3A_619 = arith.constant 0 : i32
    %dma_wait3A_620 = tpu.memref_slice %arg10[%dma_wait3A_617, %dma_wait3A_619] : memref<16x128xf32, #tpu.memory_space<vmem>> -> memref<1x128xf32, #tpu.memory_space<vmem>>
    %dma_wait3A_621 = tpu.memref_squeeze %dma_wait3A_620 : memref<1x128xf32, #tpu.memory_space<vmem>> -> memref<128xf32, #tpu.memory_space<vmem>>
    %dma_wait3A_622 = arith.constant 0 : i32
    %dma_wait3A_623 = tpu.memref_slice %arg9[%dma_wait3A_618, %dma_wait3A_622] : memref<16x128xi32, #tpu.memory_space<vmem>> -> memref<1x128xi32, #tpu.memory_space<vmem>>
    %dma_wait3A_624 = tpu.memref_squeeze %dma_wait3A_623 : memref<1x128xi32, #tpu.memory_space<vmem>> -> memref<128xi32, #tpu.memory_space<vmem>>
    %dma_wait3A_625 = arith.constant 0 : i32
    %dma_wait3A_626 = tpu.memref_slice %arg4[%dma_wait3A_625] : memref<8388608xf32, #tpu.memory_space<hbm>> -> memref<8388608xf32, #tpu.memory_space<hbm>>
    tpu.wait_indirect_dma semaphore(%arg16 : memref<!tpu.dma_semaphore, #tpu.memory_space<semaphore_mem>>) src(%dma_wait3A_621 : memref<128xf32, #tpu.memory_space<vmem>>) dst(%dma_wait3A_626 : memref<8388608xf32, #tpu.memory_space<hbm>>)
    %dma_wait3A_627 = arith.constant 9 : i32
    %dma_wait3A_628 = arith.constant 9 : i32
    %dma_wait3A_629 = arith.constant 0 : i32
    %dma_wait3A_630 = tpu.memref_slice %arg10[%dma_wait3A_627, %dma_wait3A_629] : memref<16x128xf32, #tpu.memory_space<vmem>> -> memref<1x128xf32, #tpu.memory_space<vmem>>
    %dma_wait3A_631 = tpu.memref_squeeze %dma_wait3A_630 : memref<1x128xf32, #tpu.memory_space<vmem>> -> memref<128xf32, #tpu.memory_space<vmem>>
    %dma_wait3A_632 = arith.constant 0 : i32
    %dma_wait3A_633 = tpu.memref_slice %arg9[%dma_wait3A_628, %dma_wait3A_632] : memref<16x128xi32, #tpu.memory_space<vmem>> -> memref<1x128xi32, #tpu.memory_space<vmem>>
    %dma_wait3A_634 = tpu.memref_squeeze %dma_wait3A_633 : memref<1x128xi32, #tpu.memory_space<vmem>> -> memref<128xi32, #tpu.memory_space<vmem>>
    %dma_wait3A_635 = arith.constant 0 : i32
    %dma_wait3A_636 = tpu.memref_slice %arg4[%dma_wait3A_635] : memref<8388608xf32, #tpu.memory_space<hbm>> -> memref<8388608xf32, #tpu.memory_space<hbm>>
    tpu.wait_indirect_dma semaphore(%arg16 : memref<!tpu.dma_semaphore, #tpu.memory_space<semaphore_mem>>) src(%dma_wait3A_631 : memref<128xf32, #tpu.memory_space<vmem>>) dst(%dma_wait3A_636 : memref<8388608xf32, #tpu.memory_space<hbm>>)
    %dma_wait3A_637 = arith.constant 10 : i32
    %dma_wait3A_638 = arith.constant 10 : i32
    %dma_wait3A_639 = arith.constant 0 : i32
    %dma_wait3A_640 = tpu.memref_slice %arg10[%dma_wait3A_637, %dma_wait3A_639] : memref<16x128xf32, #tpu.memory_space<vmem>> -> memref<1x128xf32, #tpu.memory_space<vmem>>
    %dma_wait3A_641 = tpu.memref_squeeze %dma_wait3A_640 : memref<1x128xf32, #tpu.memory_space<vmem>> -> memref<128xf32, #tpu.memory_space<vmem>>
    %dma_wait3A_642 = arith.constant 0 : i32
    %dma_wait3A_643 = tpu.memref_slice %arg9[%dma_wait3A_638, %dma_wait3A_642] : memref<16x128xi32, #tpu.memory_space<vmem>> -> memref<1x128xi32, #tpu.memory_space<vmem>>
    %dma_wait3A_644 = tpu.memref_squeeze %dma_wait3A_643 : memref<1x128xi32, #tpu.memory_space<vmem>> -> memref<128xi32, #tpu.memory_space<vmem>>
    %dma_wait3A_645 = arith.constant 0 : i32
    %dma_wait3A_646 = tpu.memref_slice %arg4[%dma_wait3A_645] : memref<8388608xf32, #tpu.memory_space<hbm>> -> memref<8388608xf32, #tpu.memory_space<hbm>>
    tpu.wait_indirect_dma semaphore(%arg16 : memref<!tpu.dma_semaphore, #tpu.memory_space<semaphore_mem>>) src(%dma_wait3A_641 : memref<128xf32, #tpu.memory_space<vmem>>) dst(%dma_wait3A_646 : memref<8388608xf32, #tpu.memory_space<hbm>>)
    %dma_wait3A_647 = arith.constant 11 : i32
    %dma_wait3A_648 = arith.constant 11 : i32
    %dma_wait3A_649 = arith.constant 0 : i32
    %dma_wait3A_650 = tpu.memref_slice %arg10[%dma_wait3A_647, %dma_wait3A_649] : memref<16x128xf32, #tpu.memory_space<vmem>> -> memref<1x128xf32, #tpu.memory_space<vmem>>
    %dma_wait3A_651 = tpu.memref_squeeze %dma_wait3A_650 : memref<1x128xf32, #tpu.memory_space<vmem>> -> memref<128xf32, #tpu.memory_space<vmem>>
    %dma_wait3A_652 = arith.constant 0 : i32
    %dma_wait3A_653 = tpu.memref_slice %arg9[%dma_wait3A_648, %dma_wait3A_652] : memref<16x128xi32, #tpu.memory_space<vmem>> -> memref<1x128xi32, #tpu.memory_space<vmem>>
    %dma_wait3A_654 = tpu.memref_squeeze %dma_wait3A_653 : memref<1x128xi32, #tpu.memory_space<vmem>> -> memref<128xi32, #tpu.memory_space<vmem>>
    %dma_wait3A_655 = arith.constant 0 : i32
    %dma_wait3A_656 = tpu.memref_slice %arg4[%dma_wait3A_655] : memref<8388608xf32, #tpu.memory_space<hbm>> -> memref<8388608xf32, #tpu.memory_space<hbm>>
    tpu.wait_indirect_dma semaphore(%arg16 : memref<!tpu.dma_semaphore, #tpu.memory_space<semaphore_mem>>) src(%dma_wait3A_651 : memref<128xf32, #tpu.memory_space<vmem>>) dst(%dma_wait3A_656 : memref<8388608xf32, #tpu.memory_space<hbm>>)
    %dma_wait3A_657 = arith.constant 12 : i32
    %dma_wait3A_658 = arith.constant 12 : i32
    %dma_wait3A_659 = arith.constant 0 : i32
    %dma_wait3A_660 = tpu.memref_slice %arg10[%dma_wait3A_657, %dma_wait3A_659] : memref<16x128xf32, #tpu.memory_space<vmem>> -> memref<1x128xf32, #tpu.memory_space<vmem>>
    %dma_wait3A_661 = tpu.memref_squeeze %dma_wait3A_660 : memref<1x128xf32, #tpu.memory_space<vmem>> -> memref<128xf32, #tpu.memory_space<vmem>>
    %dma_wait3A_662 = arith.constant 0 : i32
    %dma_wait3A_663 = tpu.memref_slice %arg9[%dma_wait3A_658, %dma_wait3A_662] : memref<16x128xi32, #tpu.memory_space<vmem>> -> memref<1x128xi32, #tpu.memory_space<vmem>>
    %dma_wait3A_664 = tpu.memref_squeeze %dma_wait3A_663 : memref<1x128xi32, #tpu.memory_space<vmem>> -> memref<128xi32, #tpu.memory_space<vmem>>
    %dma_wait3A_665 = arith.constant 0 : i32
    %dma_wait3A_666 = tpu.memref_slice %arg4[%dma_wait3A_665] : memref<8388608xf32, #tpu.memory_space<hbm>> -> memref<8388608xf32, #tpu.memory_space<hbm>>
    tpu.wait_indirect_dma semaphore(%arg16 : memref<!tpu.dma_semaphore, #tpu.memory_space<semaphore_mem>>) src(%dma_wait3A_661 : memref<128xf32, #tpu.memory_space<vmem>>) dst(%dma_wait3A_666 : memref<8388608xf32, #tpu.memory_space<hbm>>)
    %dma_wait3A_667 = arith.constant 13 : i32
    %dma_wait3A_668 = arith.constant 13 : i32
    %dma_wait3A_669 = arith.constant 0 : i32
    %dma_wait3A_670 = tpu.memref_slice %arg10[%dma_wait3A_667, %dma_wait3A_669] : memref<16x128xf32, #tpu.memory_space<vmem>> -> memref<1x128xf32, #tpu.memory_space<vmem>>
    %dma_wait3A_671 = tpu.memref_squeeze %dma_wait3A_670 : memref<1x128xf32, #tpu.memory_space<vmem>> -> memref<128xf32, #tpu.memory_space<vmem>>
    %dma_wait3A_672 = arith.constant 0 : i32
    %dma_wait3A_673 = tpu.memref_slice %arg9[%dma_wait3A_668, %dma_wait3A_672] : memref<16x128xi32, #tpu.memory_space<vmem>> -> memref<1x128xi32, #tpu.memory_space<vmem>>
    %dma_wait3A_674 = tpu.memref_squeeze %dma_wait3A_673 : memref<1x128xi32, #tpu.memory_space<vmem>> -> memref<128xi32, #tpu.memory_space<vmem>>
    %dma_wait3A_675 = arith.constant 0 : i32
    %dma_wait3A_676 = tpu.memref_slice %arg4[%dma_wait3A_675] : memref<8388608xf32, #tpu.memory_space<hbm>> -> memref<8388608xf32, #tpu.memory_space<hbm>>
    tpu.wait_indirect_dma semaphore(%arg16 : memref<!tpu.dma_semaphore, #tpu.memory_space<semaphore_mem>>) src(%dma_wait3A_671 : memref<128xf32, #tpu.memory_space<vmem>>) dst(%dma_wait3A_676 : memref<8388608xf32, #tpu.memory_space<hbm>>)
    %dma_wait3A_677 = arith.constant 14 : i32
    %dma_wait3A_678 = arith.constant 14 : i32
    %dma_wait3A_679 = arith.constant 0 : i32
    %dma_wait3A_680 = tpu.memref_slice %arg10[%dma_wait3A_677, %dma_wait3A_679] : memref<16x128xf32, #tpu.memory_space<vmem>> -> memref<1x128xf32, #tpu.memory_space<vmem>>
    %dma_wait3A_681 = tpu.memref_squeeze %dma_wait3A_680 : memref<1x128xf32, #tpu.memory_space<vmem>> -> memref<128xf32, #tpu.memory_space<vmem>>
    %dma_wait3A_682 = arith.constant 0 : i32
    %dma_wait3A_683 = tpu.memref_slice %arg9[%dma_wait3A_678, %dma_wait3A_682] : memref<16x128xi32, #tpu.memory_space<vmem>> -> memref<1x128xi32, #tpu.memory_space<vmem>>
    %dma_wait3A_684 = tpu.memref_squeeze %dma_wait3A_683 : memref<1x128xi32, #tpu.memory_space<vmem>> -> memref<128xi32, #tpu.memory_space<vmem>>
    %dma_wait3A_685 = arith.constant 0 : i32
    %dma_wait3A_686 = tpu.memref_slice %arg4[%dma_wait3A_685] : memref<8388608xf32, #tpu.memory_space<hbm>> -> memref<8388608xf32, #tpu.memory_space<hbm>>
    tpu.wait_indirect_dma semaphore(%arg16 : memref<!tpu.dma_semaphore, #tpu.memory_space<semaphore_mem>>) src(%dma_wait3A_681 : memref<128xf32, #tpu.memory_space<vmem>>) dst(%dma_wait3A_686 : memref<8388608xf32, #tpu.memory_space<hbm>>)
    %dma_wait3A_687 = arith.constant 15 : i32
    %dma_wait3A_688 = arith.constant 15 : i32
    %dma_wait3A_689 = arith.constant 0 : i32
    %dma_wait3A_690 = tpu.memref_slice %arg10[%dma_wait3A_687, %dma_wait3A_689] : memref<16x128xf32, #tpu.memory_space<vmem>> -> memref<1x128xf32, #tpu.memory_space<vmem>>
    %dma_wait3A_691 = tpu.memref_squeeze %dma_wait3A_690 : memref<1x128xf32, #tpu.memory_space<vmem>> -> memref<128xf32, #tpu.memory_space<vmem>>
    %dma_wait3A_692 = arith.constant 0 : i32
    %dma_wait3A_693 = tpu.memref_slice %arg9[%dma_wait3A_688, %dma_wait3A_692] : memref<16x128xi32, #tpu.memory_space<vmem>> -> memref<1x128xi32, #tpu.memory_space<vmem>>
    %dma_wait3A_694 = tpu.memref_squeeze %dma_wait3A_693 : memref<1x128xi32, #tpu.memory_space<vmem>> -> memref<128xi32, #tpu.memory_space<vmem>>
    %dma_wait3A_695 = arith.constant 0 : i32
    %dma_wait3A_696 = tpu.memref_slice %arg4[%dma_wait3A_695] : memref<8388608xf32, #tpu.memory_space<hbm>> -> memref<8388608xf32, #tpu.memory_space<hbm>>
    tpu.wait_indirect_dma semaphore(%arg16 : memref<!tpu.dma_semaphore, #tpu.memory_space<semaphore_mem>>) src(%dma_wait3A_691 : memref<128xf32, #tpu.memory_space<vmem>>) dst(%dma_wait3A_696 : memref<8388608xf32, #tpu.memory_space<hbm>>)
    %eq3A_697 = arith.constant 1 : i32
    "tpu.trace_stop"() : () -> ()
    "tpu.trace_start"() <{level = 10 : i32, message = "p8_lens"}> : () -> ()
    %eq3A_698 = arith.cmpi eq, %select_n3A_30, %eq3A_697 : i32
    %convert_element_type3A_699 = arith.extui %eq3A_698 : i1 to i32
    %cond3A_700 = arith.constant 0 : i32
    %cond3A_701 = arith.cmpi ne, %convert_element_type3A_699, %cond3A_700 : i32
    scf.if %cond3A_701 {
      "tpu.region"() ({
        %run_scoped3A = tpu.sem_alloc : memref<!tpu.dma_semaphore, #tpu.memory_space<semaphore_mem>>
        %dma_start3A_759 = arith.constant 0 : i32
        %dma_start3A_760 = tpu.memref_slice %arg14[%select_n3A_54, %dma_start3A_759] : memref<8x128xi32, #tpu.memory_space<vmem_shared>> -> memref<1x128xi32, #tpu.memory_space<vmem_shared>>
        %dma_start3A_761 = tpu.memref_squeeze %dma_start3A_760 : memref<1x128xi32, #tpu.memory_space<vmem_shared>> -> memref<128xi32, #tpu.memory_space<vmem_shared>>
        %dma_start3A_762 = arith.constant 0 : i32
        %dma_start3A_763 = tpu.memref_slice %arg14[%select_n3A_54, %dma_start3A_762] : memref<8x128xi32, #tpu.memory_space<vmem_shared>> -> memref<1x128xi32, #tpu.memory_space<vmem_shared>>
        %dma_start3A_764 = tpu.memref_squeeze %dma_start3A_763 : memref<1x128xi32, #tpu.memory_space<vmem_shared>> -> memref<128xi32, #tpu.memory_space<vmem_shared>>
        tpu.enqueue_dma source(%dma_start3A_764 : memref<128xi32, #tpu.memory_space<vmem_shared>>) target(%arg12 : memref<128xi32, #tpu.memory_space<vmem>>) target_semaphore(%run_scoped3A : memref<!tpu.dma_semaphore, #tpu.memory_space<semaphore_mem>>)
        %dma_wait3A_765 = arith.constant 0 : i32
        %dma_wait3A_766 = tpu.memref_slice %arg14[%select_n3A_54, %dma_wait3A_765] : memref<8x128xi32, #tpu.memory_space<vmem_shared>> -> memref<1x128xi32, #tpu.memory_space<vmem_shared>>
        %dma_wait3A_767 = tpu.memref_squeeze %dma_wait3A_766 : memref<1x128xi32, #tpu.memory_space<vmem_shared>> -> memref<128xi32, #tpu.memory_space<vmem_shared>>
        %dma_wait3A_768 = arith.constant 0 : i32
        %dma_wait3A_769 = tpu.memref_slice %arg14[%select_n3A_54, %dma_wait3A_768] : memref<8x128xi32, #tpu.memory_space<vmem_shared>> -> memref<1x128xi32, #tpu.memory_space<vmem_shared>>
        %dma_wait3A_770 = tpu.memref_squeeze %dma_wait3A_769 : memref<1x128xi32, #tpu.memory_space<vmem_shared>> -> memref<128xi32, #tpu.memory_space<vmem_shared>>
        tpu.wait_dma2 semaphore(%run_scoped3A : memref<!tpu.dma_semaphore, #tpu.memory_space<semaphore_mem>>) src(%dma_wait3A_770 : memref<128xi32, #tpu.memory_space<vmem_shared>>) dst(%arg12 : memref<128xi32, #tpu.memory_space<vmem>>)
        tpu.yield
      }) : () -> ()
      %get3A = arith.constant 0 : index
      %get3A_702 = tpu.vector_load %arg11[%get3A] {strides = array<i32>} : memref<128xi32, #tpu.memory_space<vmem>>, vector<16xi32>,
      %get3A_703 = arith.constant 0 : index
      %get3A_704 = tpu.vector_load %arg12[%get3A_703] {strides = array<i32>} : memref<128xi32, #tpu.memory_space<vmem>>, vector<16xi32>,
      %add3A_705 = arith.addi %get3A_702, %get3A_704 : vector<16xi32>
      %swap3A_706 = arith.constant 0 : index
      %swap3A_707 = tpu.vector_load %arg11[%swap3A_706] {strides = array<i32>} : memref<128xi32, #tpu.memory_space<vmem>>, vector<16xi32>,
      tpu.vector_store %arg11[%swap3A_706], %add3A_705 {strides = array<i32>} : memref<128xi32, #tpu.memory_space<vmem>>, vector<16xi32>,
      %get3A_708 = arith.constant 16 : index
      %get3A_709 = tpu.vector_load %arg11[%get3A_708] {strides = array<i32>} : memref<128xi32, #tpu.memory_space<vmem>>, vector<16xi32>,
      %get3A_710 = arith.constant 16 : index
      %get3A_711 = tpu.vector_load %arg12[%get3A_710] {strides = array<i32>} : memref<128xi32, #tpu.memory_space<vmem>>, vector<16xi32>,
      %add3A_712 = arith.addi %get3A_709, %get3A_711 : vector<16xi32>
      %swap3A_713 = arith.constant 16 : index
      %swap3A_714 = tpu.vector_load %arg11[%swap3A_713] {strides = array<i32>} : memref<128xi32, #tpu.memory_space<vmem>>, vector<16xi32>,
      tpu.vector_store %arg11[%swap3A_713], %add3A_712 {strides = array<i32>} : memref<128xi32, #tpu.memory_space<vmem>>, vector<16xi32>,
      %get3A_715 = arith.constant 32 : index
      %get3A_716 = tpu.vector_load %arg11[%get3A_715] {strides = array<i32>} : memref<128xi32, #tpu.memory_space<vmem>>, vector<16xi32>,
      %get3A_717 = arith.constant 32 : index
      %get3A_718 = tpu.vector_load %arg12[%get3A_717] {strides = array<i32>} : memref<128xi32, #tpu.memory_space<vmem>>, vector<16xi32>,
      %add3A_719 = arith.addi %get3A_716, %get3A_718 : vector<16xi32>
      %swap3A_720 = arith.constant 32 : index
      %swap3A_721 = tpu.vector_load %arg11[%swap3A_720] {strides = array<i32>} : memref<128xi32, #tpu.memory_space<vmem>>, vector<16xi32>,
      tpu.vector_store %arg11[%swap3A_720], %add3A_719 {strides = array<i32>} : memref<128xi32, #tpu.memory_space<vmem>>, vector<16xi32>,
      %get3A_722 = arith.constant 48 : index
      %get3A_723 = tpu.vector_load %arg11[%get3A_722] {strides = array<i32>} : memref<128xi32, #tpu.memory_space<vmem>>, vector<16xi32>,
      %get3A_724 = arith.constant 48 : index
      %get3A_725 = tpu.vector_load %arg12[%get3A_724] {strides = array<i32>} : memref<128xi32, #tpu.memory_space<vmem>>, vector<16xi32>,
      %add3A_726 = arith.addi %get3A_723, %get3A_725 : vector<16xi32>
      %swap3A_727 = arith.constant 48 : index
      %swap3A_728 = tpu.vector_load %arg11[%swap3A_727] {strides = array<i32>} : memref<128xi32, #tpu.memory_space<vmem>>, vector<16xi32>,
      tpu.vector_store %arg11[%swap3A_727], %add3A_726 {strides = array<i32>} : memref<128xi32, #tpu.memory_space<vmem>>, vector<16xi32>,
      %get3A_729 = arith.constant 64 : index
      %get3A_730 = tpu.vector_load %arg11[%get3A_729] {strides = array<i32>} : memref<128xi32, #tpu.memory_space<vmem>>, vector<16xi32>,
      %get3A_731 = arith.constant 64 : index
      %get3A_732 = tpu.vector_load %arg12[%get3A_731] {strides = array<i32>} : memref<128xi32, #tpu.memory_space<vmem>>, vector<16xi32>,
      %add3A_733 = arith.addi %get3A_730, %get3A_732 : vector<16xi32>
      %swap3A_734 = arith.constant 64 : index
      %swap3A_735 = tpu.vector_load %arg11[%swap3A_734] {strides = array<i32>} : memref<128xi32, #tpu.memory_space<vmem>>, vector<16xi32>,
      tpu.vector_store %arg11[%swap3A_734], %add3A_733 {strides = array<i32>} : memref<128xi32, #tpu.memory_space<vmem>>, vector<16xi32>,
      %get3A_736 = arith.constant 80 : index
      %get3A_737 = tpu.vector_load %arg11[%get3A_736] {strides = array<i32>} : memref<128xi32, #tpu.memory_space<vmem>>, vector<16xi32>,
      %get3A_738 = arith.constant 80 : index
      %get3A_739 = tpu.vector_load %arg12[%get3A_738] {strides = array<i32>} : memref<128xi32, #tpu.memory_space<vmem>>, vector<16xi32>,
      %add3A_740 = arith.addi %get3A_737, %get3A_739 : vector<16xi32>
      %swap3A_741 = arith.constant 80 : index
      %swap3A_742 = tpu.vector_load %arg11[%swap3A_741] {strides = array<i32>} : memref<128xi32, #tpu.memory_space<vmem>>, vector<16xi32>,
      tpu.vector_store %arg11[%swap3A_741], %add3A_740 {strides = array<i32>} : memref<128xi32, #tpu.memory_space<vmem>>, vector<16xi32>,
      %get3A_743 = arith.constant 96 : index
      %get3A_744 = tpu.vector_load %arg11[%get3A_743] {strides = array<i32>} : memref<128xi32, #tpu.memory_space<vmem>>, vector<16xi32>,
      %get3A_745 = arith.constant 96 : index
      %get3A_746 = tpu.vector_load %arg12[%get3A_745] {strides = array<i32>} : memref<128xi32, #tpu.memory_space<vmem>>, vector<16xi32>,
      %add3A_747 = arith.addi %get3A_744, %get3A_746 : vector<16xi32>
      %swap3A_748 = arith.constant 96 : index
      %swap3A_749 = tpu.vector_load %arg11[%swap3A_748] {strides = array<i32>} : memref<128xi32, #tpu.memory_space<vmem>>, vector<16xi32>,
      tpu.vector_store %arg11[%swap3A_748], %add3A_747 {strides = array<i32>} : memref<128xi32, #tpu.memory_space<vmem>>, vector<16xi32>,
      %get3A_750 = arith.constant 112 : index
      %get3A_751 = tpu.vector_load %arg11[%get3A_750] {strides = array<i32>} : memref<128xi32, #tpu.memory_space<vmem>>, vector<16xi32>,
      %get3A_752 = arith.constant 112 : index
      %get3A_753 = tpu.vector_load %arg12[%get3A_752] {strides = array<i32>} : memref<128xi32, #tpu.memory_space<vmem>>, vector<16xi32>,
      %add3A_754 = arith.addi %get3A_751, %get3A_753 : vector<16xi32>
      %swap3A_755 = arith.constant 112 : index
      %swap3A_756 = tpu.vector_load %arg11[%swap3A_755] {strides = array<i32>} : memref<128xi32, #tpu.memory_space<vmem>>, vector<16xi32>,
      tpu.vector_store %arg11[%swap3A_755], %add3A_754 {strides = array<i32>} : memref<128xi32, #tpu.memory_space<vmem>>, vector<16xi32>,
      %mul3A_757 = arith.constant 128 : i32
      %mul3A_758 = arith.muli %select_n3A, %mul3A_757 : i32
      "tpu.region"() ({
        %run_scoped3A = tpu.sem_alloc : memref<!tpu.dma_semaphore, #tpu.memory_space<semaphore_mem>>
        %dma_start3A_759 = tpu.memref_slice %arg5[%mul3A_758] : memref<2048xi32, #tpu.memory_space<hbm>> -> memref<128xi32, #tpu.memory_space<hbm>>
        %dma_start3A_760 = tpu.memref_slice %arg5[%mul3A_758] : memref<2048xi32, #tpu.memory_space<hbm>> -> memref<128xi32, #tpu.memory_space<hbm>>
        tpu.enqueue_dma source(%arg11 : memref<128xi32, #tpu.memory_space<vmem>>) target(%dma_start3A_760 : memref<128xi32, #tpu.memory_space<hbm>>) target_semaphore(%run_scoped3A : memref<!tpu.dma_semaphore, #tpu.memory_space<semaphore_mem>>)
        %dma_wait3A_761 = tpu.memref_slice %arg5[%mul3A_758] : memref<2048xi32, #tpu.memory_space<hbm>> -> memref<128xi32, #tpu.memory_space<hbm>>
        %dma_wait3A_762 = tpu.memref_slice %arg5[%mul3A_758] : memref<2048xi32, #tpu.memory_space<hbm>> -> memref<128xi32, #tpu.memory_space<hbm>>
        tpu.wait_dma2 semaphore(%run_scoped3A : memref<!tpu.dma_semaphore, #tpu.memory_space<semaphore_mem>>) src(%arg11 : memref<128xi32, #tpu.memory_space<vmem>>) dst(%dma_wait3A_762 : memref<128xi32, #tpu.memory_space<hbm>>)
        tpu.yield
      }) : () -> ()
    } else {
    }
    "tpu.trace_stop"() : () -> ()
    return
  }
}

</mosaic_0001>

<sc_bundles>
// kernel: _split_sc.3.cloned.1.call-start
scs
__scs_entry_jumppad:
0x0: {  	(pc) =	sbr.rel $0x88, $3  }
0x1: {  	(tag) =	ssettag $0x0;
	lr =	simm.s32 $0x1  }
0x2: {  	[smem:$0x3F9F] =	sst lr;
	_ =	strace $0xD0000000  }
0x3: {  	_ = 	snop  }
0x4: {  	_ = 	snop  }
0x5: {  	_ = 	snop  }
0x6: {  	_ = 	snop  }
0x7: {  	_ = 	snop  }
__scs_overlays_trampoline_lowered:
0x8: {  	[smem:$0x3FAE] =	sst s0  }
0x9: {  	[smem:$0x3FAF] =	sst s1  }
0xa: {  	[smem:$0x3FB0] =	sst s2  }
0xb: {  	[smem:$0x3FB1] =	sst s3  }
0xc: {  	[smem:$0x3FB2] =	sst s4  }
0xd: {  	[smem:$0x3FB3] =	sst s5  }
0xe: {  	[smem:$0x3FB4] =	sst s6  }
0xf: {  	[smem:$0x3FB5] =	sst s7  }
0x10: {  	[smem:$0x3FB6] =	sst s8  }
0x11: {  	[smem:$0x3FB7] =	sst s9;
	s0 =	simm.s32 @!p0 $0x0  }
0x12: {  	s1 =	sld [smem:$0x3F9D];
	s0 =	simm.s32 @p0 $0x1  }
0x13: {  	[smem:$0x3FB8] =	sst s0;
	s0 =	simm.s32 @!p1 $0x0  }
0x14: {  	s2 =	sld [smem:$0x3F9C];
	s0 =	simm.s32 @p1 $0x1  }
0x15: {  	[smem:$0x3FB9] =	sst s0;
	s0 =	simm.s32 @!p2 $0x0  }
0x16: {  	s3 =	sld [smem:$0x3FDB];
	s0 =	simm.s32 @p2 $0x1  }
0x17: {  	s4 =	simm.s32 $0x1BF5;
	[smem:$0x3FBB] =	sst s0  }
0x18: {  	s0 =	sld [smem:$0x3F9E];
	_ =	swait.ge [sflag:s4], $0x0  }
0x19: {  	s7 =	sld [smem:$0x3F9F]  }
0x1a: {  	s8 =	sadd.s32 $0xFFFFE003, lr  }
0x1b: {  	s9 =	sadd.s32 $0xFFFFFEF7, lr;
	s5 =	simm.s32 $0xFFFFFFFF;
	p2 =	slt.u32 s8, $0xFFFFF086  }
0x1c: {  	p1 =	slt.u32 s9, $0xF7A;
	s5 =	simm.s32 @!p2 $0x0  }
0x1d: {  	s5 =	simm.s32 @p1 $0x1;
	p0 =	seq.s32 s7, s2  }
0x1e: {  	s7 =	smul.u32 @!p0 $0xF7A, s2;
	p2 =	seq.s32 @!p0 s5, $0x0  }
0x1f: {  	s9 =	smul.u32 $0xF7A, s1;
	s8 =	simm.s32 @!p0 $0x1BF5;
	p2 =	por !p2, p0  }
0x20: {  	[sflag:s8] =	ssyncset.s32 @!p0 $0xFFFFF086;
	s6 =	sadd.s32 @!p0 s3, s7;
	s7 =	simm.s32 @!p0 $0x108  }
0x21: {  	s3 =	sadd.s32 s3, s9;
	s6 =	sadd.s32 @!p0 $0x88, s6;
	s7 =	simm.s32 @p2 $0x1082  }
0x22: {  	[simem:s7], [sflag:s8] =	dma.local @!p0 [hbm:s6], $0xF7A  }
0x23: {  	s9 =	sor.u32 $0xD0000000, s2;
	s6 =	simm.s32 $0x108;
	_ =	swait.ge @!p0 [sflag:s8], $0x0  }
0x24: {  	s3 =	sadd.s32 $0x88, s3;
	s6 =	simm.s32 @!p1 $0x1082;
	[sflag:s4] =	ssyncset.s32 $0xFFFFF086  }
0x25: {  	[simem:s6], [sflag:s4] =	dma.local [hbm:s3], $0xF7A  }
0x26: {  	[smem:$0x3F9F] =	sst s1;
	(tag) =	ssettag s2;
	_ =	strace s9  }
0x27: {  	s1 =	sld [smem:$0x3FAF]  }
0x28: {  	s2 =	sld [smem:$0x3FB0]  }
0x29: {  	s4 =	sld [smem:$0x3FB2]  }
0x2a: {  	p0 =	seq.s32 s5, $0x0;
	s5 =	sld [smem:$0x3FB3]  }
0x2b: {  	s6 =	sld [smem:$0x3FB4]  }
0x2c: {  	s7 =	sld [smem:$0x3FB5]  }
0x2d: {  	s3 =	simm.s32 $0x108;
	s8 =	sld [smem:$0x3FB6]  }
0x2e: {  	s3 =	simm.s32 @!p0 $0x1082;
	s9 =	sld [smem:$0x3FB7]  }
0x2f: {  	lr =	sadd.s32 s0, s3;
	s0 =	sld [smem:$0x3FAE]  }
0x30: {  	s3 =	sld [smem:$0x3FB1]  }
0x31: {  	[smem:$0x3FBA] =	sst s10  }
0x32: {  	s10 =	sld [smem:$0x3FB8];
	_ =	sdelay $0x3  }
0x33: {  	p0 =	seq.s32 s10, $0x1;
	s10 =	sld [smem:$0x3FBA];
	_ =	sdelay $0x3  }
0x34: {  	[smem:$0x3FBA] =	sst s10  }
0x35: {  	s10 =	sld [smem:$0x3FB9];
	_ =	sdelay $0x3  }
0x36: {  	p1 =	seq.s32 s10, $0x1;
	s10 =	sld [smem:$0x3FBA];
	_ =	sdelay $0x3  }
0x37: {  	[smem:$0x3FBA] =	sst s10  }
0x38: {  	s10 =	sld [smem:$0x3FBB]  }
0x39: {  	_ = 	snop;
	(pc) =	sbr.ind lr, $3  }
0x3a: {  	_ = 	snop  }
0x3b: {  	_ = 	snop  }
0x3c: {  	p2 =	seq.s32 s10, $0x1;
	s10 =	sld [smem:$0x3FBA]  }
0x3d: {  	_ =	shalt  }
0x3e: {  	_ =	shalt  }
0x3f: {  	_ =	shalt  }
0x40: {  	_ =	shalt  }
0x41: {  	_ =	shalt  }
0x42: {  	_ =	shalt  }
0x43: {  	_ =	shalt  }
0x44: {  	_ =	shalt  }
0x45: {  	_ =	shalt  }
0x46: {  	_ =	shalt  }
0x47: {  	_ =	shalt  }
0x48: {  	_ =	shalt  }
0x49: {  	_ =	shalt  }
0x4a: {  	_ =	shalt  }
0x4b: {  	_ =	shalt  }
0x4c: {  	_ =	shalt  }
0x4d: {  	_ =	shalt  }
0x4e: {  	_ =	shalt  }
0x4f: {  	_ =	shalt  }
0x50: {  	_ =	shalt  }
0x51: {  	_ =	shalt  }
0x52: {  	_ =	shalt  }
0x53: {  	_ =	shalt  }
0x54: {  	_ =	shalt  }
0x55: {  	_ =	shalt  }
0x56: {  	_ =	shalt  }
0x57: {  	_ =	shalt  }
0x58: {  	_ =	shalt  }
0x59: {  	_ =	shalt  }
0x5a: {  	_ =	shalt  }
0x5b: {  	_ =	shalt  }
0x5c: {  	_ =	shalt  }
0x5d: {  	_ =	shalt  }
0x5e: {  	_ =	shalt  }
0x5f: {  	_ =	shalt  }
0x60: {  	_ =	shalt  }
0x61: {  	_ =	shalt  }
0x62: {  	_ =	shalt  }
0x63: {  	_ =	shalt  }
0x64: {  	_ =	shalt  }
0x65: {  	_ =	shalt  }
0x66: {  	_ =	shalt  }
0x67: {  	_ =	shalt  }
0x68: {  	_ =	shalt  }
0x69: {  	_ =	shalt  }
0x6a: {  	_ =	shalt  }
0x6b: {  	_ =	shalt  }
0x6c: {  	_ =	shalt  }
0x6d: {  	_ =	shalt  }
0x6e: {  	_ =	shalt  }
0x6f: {  	_ =	shalt  }
0x70: {  	_ =	shalt  }
0x71: {  	_ =	shalt  }
0x72: {  	_ =	shalt  }
0x73: {  	_ =	shalt  }
0x74: {  	_ =	shalt  }
0x75: {  	_ =	shalt  }
0x76: {  	_ =	shalt  }
0x77: {  	_ =	shalt  }
0x78: {  	_ =	shalt  }
0x79: {  	_ =	shalt  }
0x7a: {  	_ =	shalt  }
0x7b: {  	_ =	shalt  }
0x7c: {  	_ =	shalt  }
0x7d: {  	_ =	shalt  }
0x7e: {  	_ =	shalt  }
0x7f: {  	_ =	shalt  }
0x80: {  	_ =	shalt  }
0x81: {  	_ =	shalt  }
0x82: {  	_ =	shalt  }
0x83: {  	_ =	shalt  }
0x84: {  	_ =	shalt  }
0x85: {  	_ =	shalt  }
0x86: {  	_ =	shalt  }
0x87: {  	_ =	shalt  }
.Lfunc_end0:
.L_simem_size_0:
called_computation_lowered:
.L_overlay_start_0:
0x88: {  	s2 =	sld [smem:$0x3FD9]  }
0x89: {  	s3 =	sld [smem:$0x3FFE];
	_ =	sdelay $0x1  }
0x8a: {  	s1 =	srdreg.scid  }
0x8b: {  	s0 =	sand.u32 $0x1, s1  }
0x8c: {  	s15 =	sshll.u32 s0, $0xA;
	s2 =	sadd.s32 s3, s2  }
0x8d: {  	s2 =	sadd.s32 s2, s15  }
0x8e: {  	[smem:$0x3FC6] =	sst s2  }
0x8f: {  	_ = 	snop  }
0x90: {  	s2 =	sld [smem:$0x3FD0];
	_ =	sdelay $0x1  }
0x91: {  	s16 =	sld [smem:$0x3FC9]  }
0x92: {  	s5 =	simm.s32 $0xA;
	s6 =	simm.s32 $0x10;
	s4 =	sld [smem:$0x3FC8]  }
0x93: {  	[smem:s6], [sflag:s5] =	dma.local [hbm:s2], $0x1  }
0x94: {  	_ =	swait.eq [sflag:s5], $0x1  }
0x95: {  	[sflag:s5] =	ssyncset.done $0x0  }
0x96: {  	s17 =	sld [smem:$0x10];
	[sflag:s5] =	ssyncadd.s32 $0xFFFFFFFF  }
0x97: {  	s18 =	sld [smem:$0x11];
	(tm) =	ssettm $0x1  }
0x98: {  	s19 =	sld [smem:$0x3FFB];
	_ =	sdelay $0x3  }
0x99: {  	_ =	strace s19  }
0x9a: {  	s6 =	sld [smem:$0x3FFC];
	_ =	sdelay $0x3  }
0x9b: {  	_ =	strace s6  }
0x9c: {  	s6 =	sld [smem:$0x3FFD];
	_ =	sdelay $0x3  }
0x9d: {  	_ =	strace s6  }
0x9e: {  	_ =	strace $0x8FFFFFFF  }
0x9f: {  	s20 =	sld [smem:$0x3FDB];
	_ =	sdelay $0x1  }
0xa0: {  	s7 =	simm.s32 $_scs_section_size  }
0xa1: {  	s8 =	simm.s32 $_size__tile_overlayer_lowered;
	s9 =	simm.s32 $_tile_overlayer_lowered  }
0xa2: {  	s23 =	simm.s32 $0x1BFF;
	s22 =	sshll.u32 s9, $0x1;
	s6 =	sadd.s32 s7, s20  }
0xa3: {  	s10 =	simm.s32 $0x0;
	s21 =	sshll.u32 s8, $0x1;
	s8 =	sadd.s32 s22, s6  }
0xa4: {  	[timem:s10], [sflag:s23] =	dma.local [hbm:s8], s21  }
0xa5: {  	_ =	swait.ge [sflag:s23], s21  }
0xa6: {  	s7 =	ssub.s32 $0x0, s21;
	[sflag:s23] =	ssyncset.done $0x0  }
0xa7: {  	[sflag:s23] =	ssyncadd.s32 s7;
	_ =	sdelay $0x1  }
0xa8: {  	s24 =	simm.s32 $0x1B8B  }
0xa9: {  	_ =	swait.ge [sflag:s24], $0x1  }
0xaa: {  	[sflag:s24] =	ssyncset.done $0x0  }
0xab: {  	s25 =	simm.s32 $0x1B8E;
	[sflag:s24] =	ssyncadd.s32 $0xFFFFFFFF  }
0xac: {  	s26 =	simm.s32 $execute0_lowered;
	[smem:$0x3FD2] =	sst s25  }
0xad: {  	s7 =	sshll.u32 s26, $0x1;
	_ =	strace $0x80000046;
	[dreg:$0x1] =	wrdreg $0xFFFFFFFF  }
0xae: {  	s28 =	simm.s32 $_size_execute0_lowered;
	s6 =	sadd.s32 s6, s7;
	[dreg:$0x0] =	wrdreg $0x0  }
0xaf: {  	s7 =	sshll.u32 s28, $0x1;
	[dreg:$0x2] =	wrdreg s6  }
0xb0: {  	[dreg:$0x3] =	wrdreg s7  }
0xb1: {  	[dreg:$0x4] =	wrdreg $0xC0  }
0xb2: {  	_ =	task [dreg:s10], $0x5FFFF  }
0xb3: {  	[dreg:$0x1] =	wrdreg $0xFFFFFFFF  }
0xb4: {  	[dreg:$0x0] =	wrdreg $0x60  }
0xb5: {  	[dreg:$0x2] =	wrdreg s16  }
0xb6: {  	[dreg:$0x3] =	wrdreg s4  }
0xb7: {  	[dreg:$0x4] =	wrdreg s17  }
0xb8: {  	[dreg:$0x5] =	wrdreg s18  }
0xb9: {  	[dreg:$0x6] =	wrdreg $0x49000  }
0xba: {  	[dreg:$0x7] =	wrdreg $0x9  }
0xbb: {  	_ =	task.clear_ibuf [dreg:s10], $0x8FFFF;
	_ =	strace $0x90000046  }
0xbc: {  	s29 =	simm.s32 $0x9;
	_ =	strace $0x8000004F  }
0xbd: {  	_ =	swait.ge [sflag:s29], $0x1  }
0xbe: {  	[sflag:s29] =	ssyncadd.s32 $0xFFFFFFFF  }
0xbf: {  	_ =	strace $0x9000004F  }
0xc0: {  	_ =	sfence  }
0xc1: {  	s30 =	sld [smem:$0x0];
	_ =	sdelay $0x2  }
0xc2: {  	s31 =	sshll.u32 s1, $0xD;
	s1 =	sshrl.u32 s1, $0x2  }
0xc3: {  	s3 =	sand.u32 $0x4000, s31;
	s1 =	sadd.s32 s1, s30  }
0xc4: {  	s0 =	sor.u32 s3, s0;
	s1 =	sshll.u32 s1, $0x11  }
0xc5: {  	s0 =	sor.u32 s1, s0  }
0xc6: {  	s0 =	sadd.s32 $0x8F2B, s0  }
0xc7: {  	[sflag:s0] =	ssyncadd.remote.s32 $0x1  }
0xc8: {  	_ =	sfence.sel $0xFFFF  }
0xc9: {  	[dreg:$0x0] =	wrdreg $0xFFFFFFFF;
	(pc) =	sbr.abs _section_cstart, $3  }
0xca: {  	[dreg:$0x1] =	wrdreg $0xFFFFFFFF  }
0xcb: {  	_ =	task.clear_ibuf [dreg:s10], $0x2FFFF;
	_ =	strace $0x9FFFFFFF  }
0xcc: {  	(tm) =	ssettm $0x7FFFFFFF  }
0xcd: {  	_ =	shalt  }
tec
execute0_lowered:
.L_overlay_start_1:
0x0: {  	(tag) =	ssettag $0x1  }
0x1: {  	s0 =	rddreg [dreg:$0x0]  }
0x2: {  	s2 =	rddreg [dreg:$0x1]  }
0x3: {  	s1 =	rddreg [dreg:$0x2]  }
0x4: {  	s3 =	rddreg [dreg:$0x3]  }
0x5: {  	s5 =	rddreg [dreg:$0x4];
	s4 =	srdreg.scid  }
0x6: {  	s31 =	simm.s32 $0x0;
	s12 =	stileid.u32;
	s4 =	sand.u32 $0x1, s4  }
0x7: {  	[smem:$0x7FF] =	sst s31;
	s8 =	sand.u32 $0x1, s12;
	s11 =	sshrl.u32 s12, $0x1  }
0x8: {  	s6 =	sshll.u32 s4, $0x4;
	s4 =	ssub.s32 $0x2, s4;
	p1 =	seq.s32 s8, $0x1  }
0x9: {  	_ =	strace $0x80000047;
	s21 =	sshll.u32 s8, $0xE;
	s6 =	sor.u32 s12, s6  }
0xa: {  	s17 =	sshll.u32 s11, $0x7;
	s7 =	sshrl.u32 s4, $0x1;
	p0 =	seq.s32 s6, $0x0  }
0xb: {  	p6 =	sne.s32 s8, $0x0;
	s9 =	ssub.s32 s4, s7;
	p0 =	por !p0, !p1  }
0xc: {  	s7 =	simm.s32 $0x1;
	s10 =	sshrl.u32 s6, $0x1;
	p0 =	por !p0, !p0  }
0xd: {  	s4 =	simm.s32 $0x1;
	s22 =	sshll.u32 s6, $0xF;
	s7 =	simm.s32 @!p0 $0x0  }
0xe: {  	s6 =	sshll.u32 s8, $0xB;
	p0 =	seq.s32 s12, $0x0;
	s10 =	ssub.s32 s10, s7  }
0xf: {  	s7 =	simm.s32 $0x1;
	s19 =	sshll.u32 s10, $0xC;
	s13 =	sshll.u32 s10, $0x7  }
0x10: {  	s7 =	simm.s32 @!p0 $0x0;
	s12 =	sand.u32 $0xFFFF8000, s19;
	s13 =	sand.u32 $0x380, s13  }
0x11: {  	s24 =	sshll.u32 s10, $0x13;
	s10 =	sshll.u32 s10, $0x4;
	s20 =	sor.u32 s13, s12  }
0x12: {  	p0 =	seq.s32 s8, $0x0;
	s14 =	ssub.s32 s11, s7;
	s7 =	sor.u32 s21, s20  }
0x13: {  	s8 =	smax.u32 s9, $0x1;
	s13 =	sshrl.u32 s7, $0x3;
	s7 =	sadd.s32 s1, s22  }
0x14: {  	v6 =	vlaneseq.u32;
	s23 =	sor.u32 $0x7FFFF, s24;
	s25 =	sadd.s32 s2, s13;
	[dreg:$0x11] =	wrdreg s7  }
0x15: {  	v0 =	vor.u32 s24, v6;
	s24 =	simm.s32 $0x0;
	s26 =	sadd.s32 $0x400, s7;
	[dreg:$0x6] =	wrdreg s25  }
0x16: {  	s18 =	sshll.u32 s14, $0x9;
	s28 =	sadd.s32 $0x800, s7;
	[dreg:$0x7] =	wrdreg s26  }
0x17: {  	s12 =	sshrl.u32 s20, $0x3;
	s2 =	sadd.s32 $0xC00, s7;
	[dreg:$0x8] =	wrdreg s28  }
0x18: {  	s29 =	sadd.s32 s0, s12;
	s12 =	sadd.s32 $0x1000, s7;
	[dreg:$0x9] =	wrdreg s2  }
0x19: {  	s30 =	sadd.s32 s0, s13;
	s13 =	sadd.s32 $0x1400, s7;
	[dreg:$0xa] =	wrdreg s12  }
0x1a: {  	v1 =	vmov s23;
	s23 =	simm.s32 $0x2;
	s15 =	sadd.s32 $0x1800, s7;
	[dreg:$0xb] =	wrdreg s13  }
0x1b: {  	s19 =	sshra.s32 s18, $0x2;
	s16 =	sadd.s32 $0x1C00, s7;
	[dreg:$0xc] =	wrdreg s15  }
0x1c: {  	s20 =	sand.u32 $0x1FFFFFF0, s10;
	s0 =	sadd.s32 s17, s5;
	[dreg:$0xd] =	wrdreg s16  }
0x1d: {  	s3 =	sadd.s32 s3, s20;
	s21 =	sadd.s32 $0x2000, s7;
	[dreg:$0xe] =	wrdreg s0  }
0x1e: {  	s9 =	sadd.s32 $0x2C00, s7;
	s22 =	sadd.s32 $0x5000, s7;
	[dreg:$0x10] =	wrdreg s21  }
0x1f: {  	s10 =	sadd.s32 $0x3000, s7;
	s18 =	sadd.s32 $0x6400, s7;
	[dreg:$0x12] =	wrdreg s22  }
0x20: {  	s11 =	sadd.s32 $0x3400, s7;
	s20 =	sadd.s32 $0x6800, s7;
	[dreg:$0x17] =	wrdreg s18  }
0x21: {  	s14 =	sadd.s32 $0x4000, s7;
	s0 =	sadd.s32 s19, s5;
	[dreg:$0x18] =	wrdreg s20  }
0x22: {  	s17 =	sadd.s32 $0x4C00, s7;
	s25 =	sadd.s32 $0x5400, s7;
	[dreg:$0xf] =	wrdreg s0  }
0x23: {  	s19 =	sadd.s32 $0x2400, s7;
	s26 =	sadd.s32 $0x5800, s7;
	[dreg:$0x13] =	wrdreg s25  }
0x24: {  	s5 =	sadd.s32 $0x2800, s7;
	s28 =	sadd.s32 $0x5C00, s7;
	[dreg:$0x14] =	wrdreg s26  }
0x25: {  	s12 =	sadd.s32 $0x3800, s7;
	s2 =	sadd.s32 $0x6000, s7;
	[dreg:$0x15] =	wrdreg s28  }
0x26: {  	s13 =	sadd.s32 $0x3C00, s7;
	s21 =	sadd.s32 $0x6C00, s7;
	[dreg:$0x16] =	wrdreg s2  }
0x27: {  	s15 =	sadd.s32 $0x4400, s7;
	s22 =	sadd.s32 $0x7000, s7;
	[dreg:$0x19] =	wrdreg s21  }
0x28: {  	s16 =	sadd.s32 $0x4800, s7;
	[dreg:$0x1a] =	wrdreg s22;
	s25 =	sadd.s32 $0x7400, s7  }
0x29: {  	s18 =	simm.s32 $0x80;
	s26 =	sadd.s32 $0x7800, s7;
	[dreg:$0x1b] =	wrdreg s25  }
0x2a: {  	s28 =	sadd.s32 $0x7C00, s7;
	s0 =	simm.s32 @!p6 $0x0;
	[dreg:$0x1c] =	wrdreg s26  }
0x2b: {  	v2 =	vimm.f32 $0.0e+00;
	v3 =	vimm.s32 $0x0;
	s20 =	simm.s32 $0x3;
	[dreg:$0x1d] =	wrdreg s28;
	s0 =	simm.s32 @p6 $0x1  }
0x2c: {  	v5 =	vimm.s32 $0x1;
	v4 =	vadd.s32 $0x80000001, v6;
	v6 =	vadd.s32 $0x1, v6;
	s21 =	simm.s32 $0x2900;
	s22 =	simm.s32 $0x2800;
	[smem:$0x7FD] =	sst s0  }
.LBB2_1:
0x2d: {  	_ =	strace $0x80000048  }
0x2e: {  	s25 =	simm.s32 @!p0 $0x80;
	s26 =	simm.s32 @!p0 $0x400;
	s28 =	simm.s32 @!p0 $0x1000  }
0x2f: {  	[tilespmem:s28], [sflag:$0x3] =	stream.strided.gather @!p0 [hbm4b:s29+s25], $0x800, s26, s25, $0x200038;
	[tilespmem:$0x4940] =	vst v63  }
0x30: {  	s25 =	simm.s32 @!p0 $0x3  }
0x31: {  	_ =	swait.ge @!p0 [sflag:s25], $0x800  }
0x32: {  	[sflag:s25] =	ssyncset.done @!p0 $0x0  }
0x33: {  	s2 =	simm.s32 $0x400;
	[sflag:s25] =	ssyncadd.s32 @!p0 $0xFFFFF800  }
0x34: {  	[tilespmem:s31], [sflag:$0x3] =	stream.strided.gather [hbm4b:s30+s18], $0x800, s2, s18, $0x200038;
	[tilespmem:$0x4940] =	vst v63  }
0x35: {  	_ =	swait.ge [sflag:s20], $0x800  }
0x36: {  	[sflag:s20] =	ssyncset.done $0x0  }
0x37: {  	s28 =	simm.s32 $0x800;
	s0 =	rddreg [dreg:$0x6];
	[sflag:s20] =	ssyncadd.s32 $0xFFFFF800  }
0x38: {  	[tilespmem:s28], [sflag:$0x3] =	stream.strided.gather [hbm4b:s0+s18], $0x800, s2, s18, $0x200038;
	[tilespmem:$0x4940] =	vst v63  }
0x39: {  	_ =	swait.ge [sflag:s20], $0x800  }
0x3a: {  	[sflag:s20] =	ssyncset.done $0x0  }
0x3b: {  	[sflag:s20] =	ssyncadd.s32 $0xFFFFF800  }
0x3c: {  	_ =	strace $0x90000048  }
0x3d: {  	s26 =	simm.s32 $0x0;
	s25 =	simm.s32 $0x40;
	_ =	strace $0x80000049  }
.LBB2_2:
0x3e: {  	p1 =	sne.s32 s25, $0x7FC0;
	[tilespmem:s26+$0x2900] =	vst v2;
	s26 =	smov.u32 s25;
	s25 =	sadd.s32 $0x40, s25  }
.Ltmp0:
0x3f: {  	(pc) =	sbr.rel @p1 .LBB2_2-.Ltmp0, $2  }
0x40: {  	_ =	sdelay $0x2  }
0x41: {  	s26 =	sshra.s32 s26, $0x2  }
0x42: {  	[tilespmem:s26+$0x2900] =	vst v2;
	v7 =	vimm.s32 $0x0  }
0x43: {  	[tilespmem:$0x2800] =	vst v7  }
0x44: {  	[tilespmem:$0x2810] =	vst v7  }
0x45: {  	[tilespmem:$0x2820] =	vst v7  }
0x46: {  	[tilespmem:$0x2830] =	vst v7  }
0x47: {  	[tilespmem:$0x2840] =	vst v7  }
0x48: {  	[tilespmem:$0x2850] =	vst v7  }
0x49: {  	[tilespmem:$0x2860] =	vst v7  }
0x4a: {  	s25 =	simm.s32 $0x0;
	[tilespmem:$0x2870] =	vst v7  }
0x4b: {  	[hbm4b:s7+s25] =	stream.linear.scatter [tilespmem:s21], [sflag:$0x1], $0x2000, $0x200038;
	[tilespmem:$0x4940] =	vst v63  }
0x4c: {  	s0 =	rddreg [dreg:$0x7]  }
0x4d: {  	[hbm4b:s0+s25] =	stream.linear.scatter [tilespmem:s21], [sflag:$0x1], $0x2000, $0x200038;
	[tilespmem:$0x4940] =	vst v63  }
0x4e: {  	s28 =	rddreg [dreg:$0x8]  }
0x4f: {  	[hbm4b:s28+s25] =	stream.linear.scatter [tilespmem:s21], [sflag:$0x1], $0x2000, $0x200038;
	[tilespmem:$0x4940] =	vst v63  }
0x50: {  	s2 =	rddreg [dreg:$0x9]  }
0x51: {  	[hbm4b:s2+s25] =	stream.linear.scatter [tilespmem:s21], [sflag:$0x1], $0x2000, $0x200038;
	[tilespmem:$0x4940] =	vst v63  }
0x52: {  	s26 =	rddreg [dreg:$0xa]  }
0x53: {  	[hbm4b:s26+s25] =	stream.linear.scatter [tilespmem:s21], [sflag:$0x1], $0x2000, $0x200038;
	[tilespmem:$0x4940] =	vst v63  }
0x54: {  	s28 =	rddreg [dreg:$0xb]  }
0x55: {  	[hbm4b:s28+s25] =	stream.linear.scatter [tilespmem:s21], [sflag:$0x1], $0x2000, $0x200038;
	[tilespmem:$0x4940] =	vst v63  }
0x56: {  	s2 =	rddreg [dreg:$0xc]  }
0x57: {  	[hbm4b:s2+s25] =	stream.linear.scatter [tilespmem:s21], [sflag:$0x1], $0x2000, $0x200038;
	[tilespmem:$0x4940] =	vst v63  }
0x58: {  	s26 =	rddreg [dreg:$0xd]  }
0x59: {  	[hbm4b:s26+s25] =	stream.linear.scatter [tilespmem:s21], [sflag:$0x1], $0x2000, $0x200038;
	[tilespmem:$0x4940] =	vst v63  }
0x5a: {  	s28 =	rddreg [dreg:$0x10]  }
0x5b: {  	[hbm4b:s28+s25] =	stream.linear.scatter [tilespmem:s21], [sflag:$0x1], $0x2000, $0x200038;
	[tilespmem:$0x4940] =	vst v63  }
0x5c: {  	_ = 	snop  }
0x5d: {  	[hbm4b:s19+s25] =	stream.linear.scatter [tilespmem:s21], [sflag:$0x1], $0x2000, $0x200038;
	[tilespmem:$0x4940] =	vst v63  }
0x5e: {  	_ = 	snop  }
0x5f: {  	[hbm4b:s5+s25] =	stream.linear.scatter [tilespmem:s21], [sflag:$0x1], $0x2000, $0x200038;
	[tilespmem:$0x4940] =	vst v63  }
0x60: {  	_ = 	snop  }
0x61: {  	[hbm4b:s9+s25] =	stream.linear.scatter [tilespmem:s21], [sflag:$0x1], $0x2000, $0x200038;
	[tilespmem:$0x4940] =	vst v63  }
0x62: {  	_ = 	snop  }
0x63: {  	[hbm4b:s10+s25] =	stream.linear.scatter [tilespmem:s21], [sflag:$0x1], $0x2000, $0x200038;
	[tilespmem:$0x4940] =	vst v63  }
0x64: {  	_ = 	snop  }
0x65: {  	[hbm4b:s11+s25] =	stream.linear.scatter [tilespmem:s21], [sflag:$0x1], $0x2000, $0x200038;
	[tilespmem:$0x4940] =	vst v63  }
0x66: {  	_ = 	snop  }
0x67: {  	[hbm4b:s12+s25] =	stream.linear.scatter [tilespmem:s21], [sflag:$0x1], $0x2000, $0x200038;
	[tilespmem:$0x4940] =	vst v63  }
0x68: {  	_ = 	snop  }
0x69: {  	[hbm4b:s13+s25] =	stream.linear.scatter [tilespmem:s21], [sflag:$0x1], $0x2000, $0x200038;
	[tilespmem:$0x4940] =	vst v63  }
0x6a: {  	_ = 	snop  }
0x6b: {  	[hbm4b:s14+s25] =	stream.linear.scatter [tilespmem:s21], [sflag:$0x1], $0x2000, $0x200038;
	[tilespmem:$0x4940] =	vst v63  }
0x6c: {  	_ = 	snop  }
0x6d: {  	[hbm4b:s15+s25] =	stream.linear.scatter [tilespmem:s21], [sflag:$0x1], $0x2000, $0x200038;
	[tilespmem:$0x4940] =	vst v63  }
0x6e: {  	_ = 	snop  }
0x6f: {  	[hbm4b:s16+s25] =	stream.linear.scatter [tilespmem:s21], [sflag:$0x1], $0x2000, $0x200038;
	[tilespmem:$0x4940] =	vst v63  }
0x70: {  	_ = 	snop  }
0x71: {  	[hbm4b:s17+s25] =	stream.linear.scatter [tilespmem:s21], [sflag:$0x1], $0x2000, $0x200038;
	[tilespmem:$0x4940] =	vst v63  }
0x72: {  	s2 =	rddreg [dreg:$0x12]  }
0x73: {  	[hbm4b:s2+s25] =	stream.linear.scatter [tilespmem:s21], [sflag:$0x1], $0x2000, $0x200038;
	[tilespmem:$0x4940] =	vst v63  }
0x74: {  	s26 =	rddreg [dreg:$0x13]  }
0x75: {  	[hbm4b:s26+s25] =	stream.linear.scatter [tilespmem:s21], [sflag:$0x1], $0x2000, $0x200038;
	[tilespmem:$0x4940] =	vst v63  }
0x76: {  	s28 =	rddreg [dreg:$0x14]  }
0x77: {  	[hbm4b:s28+s25] =	stream.linear.scatter [tilespmem:s21], [sflag:$0x1], $0x2000, $0x200038;
	[tilespmem:$0x4940] =	vst v63  }
0x78: {  	s2 =	rddreg [dreg:$0x15]  }
0x79: {  	[hbm4b:s2+s25] =	stream.linear.scatter [tilespmem:s21], [sflag:$0x1], $0x2000, $0x200038;
	[tilespmem:$0x4940] =	vst v63  }
0x7a: {  	s26 =	rddreg [dreg:$0x16]  }
0x7b: {  	[hbm4b:s26+s25] =	stream.linear.scatter [tilespmem:s21], [sflag:$0x1], $0x2000, $0x200038;
	[tilespmem:$0x4940] =	vst v63  }
0x7c: {  	s28 =	rddreg [dreg:$0x17]  }
0x7d: {  	[hbm4b:s28+s25] =	stream.linear.scatter [tilespmem:s21], [sflag:$0x1], $0x2000, $0x200038;
	[tilespmem:$0x4940] =	vst v63  }
0x7e: {  	s2 =	rddreg [dreg:$0x18]  }
0x7f: {  	[hbm4b:s2+s25] =	stream.linear.scatter [tilespmem:s21], [sflag:$0x1], $0x2000, $0x200038;
	[tilespmem:$0x4940] =	vst v63  }
0x80: {  	s26 =	rddreg [dreg:$0x19]  }
0x81: {  	[hbm4b:s26+s25] =	stream.linear.scatter [tilespmem:s21], [sflag:$0x1], $0x2000, $0x200038;
	[tilespmem:$0x4940] =	vst v63  }
0x82: {  	s28 =	rddreg [dreg:$0x1a]  }
0x83: {  	[hbm4b:s28+s25] =	stream.linear.scatter [tilespmem:s21], [sflag:$0x1], $0x2000, $0x200038;
	[tilespmem:$0x4940] =	vst v63  }
0x84: {  	s2 =	rddreg [dreg:$0x1b]  }
0x85: {  	[hbm4b:s2+s25] =	stream.linear.scatter [tilespmem:s21], [sflag:$0x1], $0x2000, $0x200038;
	[tilespmem:$0x4940] =	vst v63  }
0x86: {  	s26 =	rddreg [dreg:$0x1c]  }
0x87: {  	[hbm4b:s26+s25] =	stream.linear.scatter [tilespmem:s21], [sflag:$0x1], $0x2000, $0x200038;
	[tilespmem:$0x4940] =	vst v63  }
.Ltmp1:
0x88: {  	_ = 	snop;
	(pc) =	sbr.rel @p0 .LBB2_19-.Ltmp1, $4  }
0x89: {  	s28 =	rddreg [dreg:$0x1d]  }
0x8a: {  	[hbm4b:s28+s25] =	stream.linear.scatter [tilespmem:s21], [sflag:$0x1], $0x2000, $0x200038;
	[tilespmem:$0x4940] =	vst v63  }
0x8b: {  	_ =	strace $0x90000049  }
0x8c: {  	s26 =	simm.s32 $0x1000;
	_ =	strace $0x8000004A  }
0x8d: {  	s7 =	smov.u32 s17;
	s17 =	smov.u32 s16  }
0x8e: {  	s16 =	smov.u32 s15;
	s15 =	smov.u32 s14;
	s14 =	smov.u32 s13  }
0x8f: {  	s13 =	smov.u32 s12;
	s12 =	smov.u32 s11;
	s11 =	smov.u32 s10  }
0x90: {  	s10 =	smov.u32 s9;
	s9 =	smov.u32 s8;
	s8 =	smov.u32 s5  }
0x91: {  	s5 =	smov.u32 s19;
	p1 =	sne.s32 s6, $0x10;
	p4 =	por $0x0, $0x0  }
.Ltmp2:
0x92: {  	s19 =	smov.u32 s3;
	s0 =	simm.s32 @!p4 $0x0;
	(pc) =	sbr.rel @!p1 .LBB2_5-.Ltmp2, $4  }
0x93: {  	s3 =	smov.u32 s30;
	s0 =	simm.s32 @p4 $0x1;
	p4 =	por $0x0, $0x0  }
0x94: {  	s30 =	simm.s32 $0x10;
	[smem:$0x7FB] =	sst s0;
	s0 =	simm.s32 @!p4 $0x0  }
0x95: {  	p2 =	por $0x0, $0x0;
	p3 =	por $0x0, $0x0;
	s0 =	simm.s32 @p4 $0x1  }
0x96: {  	v9 =	vld [tilespmem:s26+$0x0];
	p5 =	por $0x0, $0x0;
	s2 =	smov.u32 s29;
	[smem:$0x7FC] =	sst s0  }
0x97: {  	_ = 	snop  }
0x98: {  	p1 =	sne.s32 s6, $0x20  }
.Ltmp3:
0x99: {  	_ = 	snop;
	(pc) =	sbr.rel @!p1 .LBB2_7-.Ltmp3, $4  }
0x9a: {  	v8 =	vadd.s32 s25, v6  }
0x9b: {  	v8 =	vxor.u32 $0x80000000, v8;
	vm0 =	veq.s32 v9, $0x0  }
0x9c: {  	s26 =	simm.s32 $0x1010;
	v8 =	vnsel vm0, $0x80000000, v8  }
0x9d: {  	s28 =	simm.s32 $0x20;
	p2 =	por $0x1, $0x1;
	v9 =	vld [tilespmem:s26+$0x0];
	v10 =	vsel vm0, $0x1, v3;
	(xrf0) =	vmax.scan.msk.u32 $0xffff, v8  }
0x9e: {  	_ = 	snop  }
0x9f: {  	p1 =	sne.s32 s6, $0x30  }
.Ltmp4:
0xa0: {  	_ = 	snop;
	(pc) =	sbr.rel @!p1 .LBB2_9-.Ltmp4, $4  }
0xa1: {  	v8 =	vadd.s32 s30, v6  }
0xa2: {  	v8 =	vxor.u32 $0x80000000, v8;
	vm0 =	veq.s32 v9, $0x0  }
0xa3: {  	(xrf0) =	vadd.scan.msk.s32 $0xffff, v10;
	s29 =	simm.s32 $0x1020;
	v8 =	vnsel vm0, $0x80000000, v8  }
0xa4: {  	s26 =	simm.s32 $0x30;
	p3 =	por $0x1, $0x1;
	v9 =	vld [tilespmem:s29+$0x0];
	v10 =	vsel vm0, $0x1, v3;
	v12, _, _ =	vpop (xrf0);
	(xrf0) =	vmax.scan.msk.u32 $0xffff, v8  }
0xa5: {  	_ =	sdelay $0x1  }
0xa6: {  	p1 =	sne.s32 s6, $0x40  }
.Ltmp5:
0xa7: {  	_ = 	snop;
	(pc) =	sbr.rel @!p1 .LBB2_11-.Ltmp5, $4  }
0xa8: {  	v11 =	vadd.s32 s28, v6;
	p4 =	por $0x1, $0x1;
	v8, _, _ =	vpop (xrf0)  }
0xa9: {  	s0 =	simm.s32 @!p4 $0x0;
	vm0 =	veq.s32 v9, $0x0;
	v9 =	vxor.u32 $0x80000000, v11;
	v8 =	vbroadcast v8, $0xF  }
0xaa: {  	s29 =	simm.s32 $0x1030;
	s0 =	simm.s32 @p4 $0x1;
	(xrf0) =	vadd.scan.msk.s32 $0xffff, v10;
	v11 =	vnsel vm0, $0x80000000, v9  }
0xab: {  	(v2sf) =	vpush v12, $0xF;
	s30 =	simm.s32 $0x40;
	[smem:$0x7FB] =	sst s0;
	v9 =	vld [tilespmem:s29+$0x0];
	v10 =	vsel vm0, $0x1, v3;
	v12, _, _ =	vpop (xrf0);
	(xrf0) =	vmax.scan.msk.u32 $0xffff, v11;
	v8 =	vadd.s32 v7, v8  }
0xac: {  	(v2sf) =	vpush v12, $0xF;
	_ =	sdelay $0x3  }
0xad: {  	p1 =	sne.s32 s6, $0x50  }
.Ltmp6:
0xae: {  	_ = 	snop;
	(pc) =	sbr.rel @!p1 .LBB2_13-.Ltmp6, $4  }
0xaf: {  	v11 =	vadd.s32 s26, v6;
	v7, _, _ =	vpop (xrf0)  }
0xb0: {  	vm0 =	veq.s32 v9, $0x0;
	v9 =	vxor.u32 $0x80000000, v11;
	v7 =	vbroadcast v7, $0xF  }
0xb1: {  	s28 =	simm.s32 $0x1040;
	(xrf0) =	vadd.scan.msk.s32 $0xffff, v10;
	v11 =	vnsel vm0, $0x80000000, v9  }
0xb2: {  	s26 =	simm.s32 $0x50;
	p5 =	por $0x1, $0x1;
	v9 =	vld [tilespmem:s28+$0x0];
	v10 =	vsel vm0, $0x1, v3;
	v13, _, _ =	vpop (xrf0);
	(xrf0) =	vmax.scan.msk.u32 $0xffff, v11;
	v7 =	vadd.s32 v8, v7  }
0xb3: {  	_ = 	snop  }
0xb4: {  	(v2sf) =	vpush v13, $0xF;
	_ =	sdelay $0x1  }
0xb5: {  	v12 =	vadd.s32 s30, v6;
	p6 =	sne.s32 s6, $0x60  }
.Ltmp7:
0xb6: {  	vm0 =	veq.s32 v9, $0x0;
	v9 =	vxor.u32 $0x80000000, v12;
	(pc) =	sbr.rel @!p6 .LBB2_15-.Ltmp7, $4  }
0xb7: {  	p4 =	por $0x1, $0x1;
	v11, _, _ =	vpop (xrf0);
	(xrf0) =	vadd.scan.msk.s32 $0xffff, v10;
	v12 =	vnsel vm0, $0x80000000, v9  }
0xb8: {  	s30 =	simm.s32 $0x60;
	s0 =	simm.s32 @!p4 $0x0;
	s28 =	spop (v2sf);
	v11 =	vbroadcast v11, $0xF  }
0xb9: {  	s31 =	simm.s32 $0x1050;
	s0 =	simm.s32 @p4 $0x1;
	s29 =	sxor.u32 $0x80000000, s28  }
0xba: {  	[smem:$0x7FC] =	sst s0;
	v9 =	vld [tilespmem:s31+$0x0];
	v10 =	vsel vm0, $0x1, v3;
	s28 =	simm.s32 $0x0;
	(xrf0) =	vmax.scan.msk.u32 $0xffff, v12;
	p1 =	slt.s32 s29, $0x0;
	v11 =	vadd.s32 v7, v11;
	v12, _, _ =	vpop (xrf0)  }
.LBB2_16:
0xbb: {  	s0 =	smov.u32 s28;
	s28 =	smov.u32 s29  }
0xbc: {  	s28 =	smov.u32 @p1 s0;
	s0 =	smov.u32 s30;
	s30 =	sadd.s32 $0x10, s30  }
0xbd: {  	(xrf0) =	vadd.scan.msk.s32 $0xffff, v10;
	v10, _, _ =	vpop (xrf0);
	(v2sf) =	vpush v12, $0xF;
	p6 =	sne.s32 s6, s30  }
.Ltmp8:
0xbe: {  	v10 =	vbroadcast v10, $0xF;
	(pc) =	sbr.rel @p6 .LBB2_16-.Ltmp8, $4  }
0xbf: {  	v12 =	vadd.s32 s26, v6;
	s26 =	smov.u32 s0  }
0xc0: {  	s31 =	sadd.s32 $0x10, s31;
	v15 =	vxor.u32 $0x80000000, v12;
	vm0 =	veq.s32 v9, $0x0;
	v11 =	vadd.s32 v11, v10;
	s0 =	spop (v2sf)  }
0xc1: {  	v10 =	vsel vm0, $0x1, v3;
	v14 =	vnsel vm0, $0x80000000, v15;
	v9 =	vld [tilespmem:s31+$0x0];
	s29 =	sxor.u32 $0x80000000, s0  }
0xc2: {  	(xrf0) =	vmax.scan.msk.u32 $0xffff, v14;
	v12, _, _ =	vpop (xrf0);
	p1 =	sgt.s32 s28, s29  }
0xc3: {  	s0 =	sld [smem:$0x7FD];
	_ =	sdelay $0x2  }
0xc4: {  	s30 =	smov.u32 s26;
	s31 =	simm.s32 $0x0;
	p6 =	seq.s32 s0, $0x1  }
.LBB2_18:
0xc5: {  	v58 =	vadd.s32 s30, v6  }
0xc6: {  	vm0 =	veq.s32 v9, $0x0;
	v59 =	vxor.u32 $0x80000000, v58  }
0xc7: {  	(v2sf) =	vpush @p3 v12, $0xF;
	s0 =	sld [smem:$0x7FC];
	v9 =	vnsel vm0, $0x80000000, v59;
	_ =	sdelay $0x1  }
0xc8: {  	(xrf0) =	vadd.scan.msk.s32 @p2 $0xffff, v10;
	v10, _, _ =	vpop @p3 (xrf0)  }
0xc9: {  	(xrf0) =	vmax.scan.msk.u32 $0xffff, v9;
	p4 =	seq.s32 s0, $0x1;
	v9, _, _ =	vpop @p2 (xrf0)  }
0xca: {  	p1 =	por !p1, !p4;
	v9 =	vpsel p2, v9, v13  }
0xcb: {  	s26 =	simm.s32 $0x0;
	s0 =	spop @p5 (v2sf);
	s28 =	smov.u32 @p1 s29;
	(v2sf) =	vpush @p2 v9, $0xF  }
0xcc: {  	s0 =	sxor.u32 @p5 $0x80000000, s0;
	s26 =	smov.u32 @p4 s28;
	s28 =	sld [smem:$0x7FB]  }
0xcd: {  	p1 =	sgt.s32 @p5 s26, s0  }
0xce: {  	p1 =	por @!p5 p0, p0;
	v9, _, _ =	vpop @p2 (xrf0)  }
0xcf: {  	s0 =	smov.u32 @p5 s0;
	p1 =	por !p1, !p5;
	p4 =	seq.s32 s28, $0x1;
	v60, _, _ =	vpop (xrf0)  }
0xd0: {  	s28 =	simm.s32 $0x0;
	s26 =	smov.u32 @p1 s0;
	s0 =	spop @p4 (v2sf);
	(v2sf) =	vpush v60, $0xF  }
0xd1: {  	s0 =	sxor.u32 @p4 $0x80000000, s0;
	s28 =	smov.u32 @p5 s26  }
0xd2: {  	p1 =	sgt.s32 @p4 s28, s0  }
0xd3: {  	p1 =	por @!p4 p0, p0  }
0xd4: {  	s0 =	smov.u32 @p4 s0;
	p1 =	por !p1, !p4  }
0xd5: {  	s26 =	simm.s32 $0x0;
	s28 =	smov.u32 @p1 s0;
	s0 =	spop @p3 (v2sf)  }
0xd6: {  	s0 =	sxor.u32 @p3 $0x80000000, s0;
	s26 =	smov.u32 @p4 s28  }
0xd7: {  	p1 =	sgt.s32 @p3 s26, s0  }
0xd8: {  	s30 =	smov.u32 s3;
	p1 =	por @!p3 p0, p0  }
0xd9: {  	s3 =	smov.u32 s19;
	v61 =	vsel vm0, $0x1, v3;
	s0 =	smov.u32 @p3 s0;
	p1 =	por !p1, !p3  }
0xda: {  	(xrf0) =	vadd.scan.msk.s32 $0xffff, v61;
	s28 =	simm.s32 $0x0;
	s26 =	smov.u32 @p1 s0;
	s0 =	spop @p2 (v2sf)  }
0xdb: {  	s19 =	smov.u32 s5;
	s28 =	smov.u32 @p3 s26;
	s0 =	sxor.u32 @p2 $0x80000000, s0  }
0xdc: {  	s5 =	smov.u32 s8;
	s8 =	smov.u32 s9;
	p1 =	sgt.s32 @p2 s28, s0  }
0xdd: {  	s9 =	smov.u32 s10;
	s10 =	smov.u32 s11;
	v10 =	vbroadcast @p3 v10, $0xF;
	p1 =	por @!p2 p0, p0  }
0xde: {  	s11 =	smov.u32 s12;
	s0 =	smov.u32 @p2 s0;
	p1 =	por !p1, !p2  }
0xdf: {  	s12 =	smov.u32 s13;
	v10 =	vadd.s32 @p3 v11, v10;
	v9 =	vbroadcast @p2 v9, $0xF;
	s26 =	spop (v2sf);
	s28 =	smov.u32 @p1 s0  }
0xe0: {  	s13 =	smov.u32 s14;
	v7 =	vpsel p3, v10, v7;
	v62, _, _ =	vpop (xrf0);
	s0 =	sxor.u32 $0x80000000, s26;
	s25 =	smov.u32 @p2 s28  }
0xe1: {  	s14 =	smov.u32 s15;
	s15 =	smov.u32 s16;
	v7 =	vadd.s32 @p2 v7, v9;
	v63 =	vbroadcast v62, $0xF;
	p1 =	sgt.s32 s25, s0  }
0xe2: {  	s16 =	smov.u32 s17;
	s17 =	smov.u32 s7;
	v7 =	vpsel p2, v7, v8;
	s0 =	smov.u32 @p1 s25  }
0xe3: {  	s7 =	rddreg [dreg:$0x11];
	s29 =	smov.u32 s2;
	v7 =	vadd.s32 v7, v63;
	s25 =	smov.u32 s0  }
.LBB2_19:
0xe4: {  	_ =	strace $0x9000004A  }
0xe5: {  	s0 =	simm.s32 $0x0;
	_ =	strace $0x8000004B  }
0xe6: {  	v8 =	vld [tilespmem:s0+$0x0];
	_ =	sdelay $0x4  }
0xe7: {  	vm0 =	veq.s32 v8, $0x0  }
0xe8: {  	v9 =	vsel vm0, $0x1, v3  }
0xe9: {  	v10 =	vadd.s32 s6, v4;
	(xrf0) =	vadd.scan.msk.s32 $0xffff, v9  }
0xea: {  	v10 =	vnsel vm0, $0x80000000, v10  }
0xeb: {  	(xrf0) =	vmax.scan.msk.u32 $0xffff, v10;
	_ =	sdelay $0x3  }
0xec: {  	v62, _, _ =	vpop (xrf0)  }
0xed: {  	v9 =	vsub.s32 v62, v9  }
0xee: {  	v11 =	vld [tilespmem:s0+$0x800];
	v12, _, _ =	vpop (xrf0);
	v9 =	vadd.s32 v7, v9  }
0xef: {  	vm15 =	vne.s32 v8, $0x0;
	v8 =	vxor.u32 $0x80000000, v12;
	vm1 =	vlt.s32 v9, $0x80  }
0xf0: {  	vm2 =	vgt.s32 v8, s25;
	vm0 =	vmand vm1, vm15  }
0xf1: {  	v63 =	vadd.s32 s6, v0;
	v8 =	vnsel vm2, s25, v8  }
0xf2: {  	v13 =	vshll.u32 v9, $0xC;
	v12 =	vsub.s32 v63, v8;
	(v2sf) =	vpush v8, $0xF  }
0xf3: {  	v11 =	vnsel vm0, $0x0, v11;
	v12 =	vadd.s32 v13, v12  }
0xf4: {  	v10 =	vbroadcast v62, $0xF;
	[tilespmem:s0+$0x2000] =	vst v11;
	v12 =	vsel vm0, v12, v1  }
0xf5: {  	[tilespmem:s0+$0x1800] =	vst v12  }
0xf6: {  	s28 =	simm.s32 $0x80;
	s26 =	smov.u32 s6;
	v7 =	vadd.s32 v7, v10;
	s25 =	simm.s32 $0x10;
	[tilespmem:v9+s22+$0x0] =	vst.idx.add.s32.msk vm0, v5  }
.LBB2_20:
0xf7: {  	p1 =	sne.s32 s28, $0x1FC0;
	v8 =	vld [tilespmem:s25+$0x0];
	_ =	sdelay $0x4  }
0xf8: {  	vm0 =	veq.s32 v8, $0x0  }
0xf9: {  	s26 =	sadd.s32 $0x10, s26;
	v9 =	vsel vm0, $0x1, v3  }
0xfa: {  	v10 =	vadd.s32 s26, v4;
	(xrf0) =	vadd.scan.msk.s32 $0xffff, v9  }
0xfb: {  	v10 =	vnsel vm0, $0x80000000, v10  }
0xfc: {  	(xrf0) =	vmax.scan.msk.u32 $0xffff, v10  }
0xfd: {  	s0 =	spop (v2sf);
	_ =	sdelay $0x2  }
0xfe: {  	v10, _, _ =	vpop (xrf0)  }
0xff: {  	v9 =	vsub.s32 v10, v9;
	v10 =	vbroadcast v10, $0xF  }
0x100: {  	v11 =	vld [tilespmem:s25+$0x800];
	v9 =	vadd.s32 v7, v9;
	v12, _, _ =	vpop (xrf0)  }
0x101: {  	vm0 =	vne.s32 v8, $0x0;
	v8 =	vxor.u32 $0x80000000, v12;
	vm1 =	vlt.s32 v9, $0x80  }
0x102: {  	v7 =	vadd.s32 v7, v10;
	vm2 =	vgt.s32 v8, s0;
	vm0 =	vmand vm1, vm0  }
0x103: {  	v10 =	vadd.s32 s26, v0;
	v8 =	vnsel vm2, s0, v8  }
.Ltmp9:
0x104: {  	v12 =	vshll.u32 v9, $0xC;
	v10 =	vsub.s32 v10, v8;
	(v2sf) =	vpush v8, $0xF;
	(pc) =	sbr.rel @p1 .LBB2_20-.Ltmp9, $4  }
0x105: {  	v8 =	vadd.s32 v12, v10;
	v10 =	vnsel vm0, $0x0, v11  }
0x106: {  	v8 =	vsel vm0, v8, v1;
	[tilespmem:s25+$0x2000] =	vst v10  }
0x107: {  	[tilespmem:s25+$0x1800] =	vst v8  }
0x108: {  	s25 =	sshra.s32 s28, $0x2;
	s28 =	sadd.s32 $0x40, s28;
	[tilespmem:v9+s22+$0x0] =	vst.idx.add.s32.msk vm0, v5  }
0x109: {  	v8 =	vld [tilespmem:s25+$0x0];
	_ =	sdelay $0x4  }
0x10a: {  	s0 =	sadd.s32 $0x10, s26;
	vm0 =	veq.s32 v8, $0x0  }
0x10b: {  	v10 =	vadd.s32 s0, v4;
	v9 =	vsel vm0, $0x1, v3  }
0x10c: {  	v10 =	vnsel vm0, $0x80000000, v10;
	(xrf0) =	vadd.scan.msk.s32 $0xffff, v9  }
0x10d: {  	(xrf0) =	vmax.scan.msk.u32 $0xffff, v10;
	_ =	sdelay $0x4  }
0x10e: {  	v61, _, _ =	vpop (xrf0)  }
0x10f: {  	v11, _, _ =	vpop (xrf0)  }
0x110: {  	s2 =	spop (v2sf);
	v11 =	vxor.u32 $0x80000000, v11  }
0x111: {  	vm14 =	vgt.s32 v11, s2  }
0x112: {  	v11 =	vnsel vm14, s2, v11  }
0x113: {  	(v2sf) =	vpush v11, $0xF;
	_ =	sdelay $0x5  }
0x114: {  	v9 =	vsub.s32 v61, v9  }
0x115: {  	v62 =	vld [tilespmem:s25+$0x800];
	v7 =	vadd.s32 v7, v9  }
0x116: {  	vm15 =	vne.s32 v8, $0x0;
	vm1 =	vlt.s32 v7, $0x80  }
0x117: {  	vm0 =	vmand vm1, vm15  }
0x118: {  	v8 =	vadd.s32 s0, v0  }
0x119: {  	v9 =	vshll.u32 v7, $0xC;
	v8 =	vsub.s32 v8, v11  }
0x11a: {  	v63 =	vnsel vm0, $0x0, v62;
	v8 =	vadd.s32 v9, v8  }
0x11b: {  	[tilespmem:s25+$0x2000] =	vst v63;
	v8 =	vsel vm0, v8, v1  }
0x11c: {  	[tilespmem:s25+$0x1800] =	vst v8  }
0x11d: {  	[tilespmem:v7+s22+$0x0] =	vst.idx.add.s32.msk vm0, v5;
	s28 =	spop (v2sf)  }
0x11e: {  	_ =	strace $0x9000004B  }
0x11f: {  	s0 =	simm.s32 @!p6 $0x2800;
	s2 =	rddreg [dreg:$0xe]  }
0x120: {  	[spmem:s2] =	stream.linear.scatter @!p6 [tilespmem:s0], [sflag:$0x3], $0x80, $0x38;
	[tilespmem:$0x4940] =	vst v63  }
0x121: {  	s0 =	simm.s32 @!p6 $0x3  }
0x122: {  	_ =	swait.ge @!p6 [sflag:s0], $0x80  }
0x123: {  	[sflag:s0] =	ssyncset.done @!p6 $0x0  }
0x124: {  	[sflag:s0] =	ssyncadd.s32 @!p6 $0xFFFFFF80  }
0x125: {  	_ =	strace $0x8000004C  }
0x126: {  	_ =	swait.ge [sflag:s4], $0x2000  }
0x127: {  	[sflag:s4] =	ssyncset.done $0x0  }
0x128: {  	[sflag:s4] =	ssyncadd.s32 $0xFFFFE000  }
0x129: {  	_ =	swait.ge [sflag:s4], $0x2000  }
0x12a: {  	[sflag:s4] =	ssyncset.done $0x0  }
0x12b: {  	[sflag:s4] =	ssyncadd.s32 $0xFFFFE000  }
0x12c: {  	_ =	swait.ge [sflag:s4], $0x2000  }
0x12d: {  	[sflag:s4] =	ssyncset.done $0x0  }
0x12e: {  	[sflag:s4] =	ssyncadd.s32 $0xFFFFE000  }
0x12f: {  	_ =	swait.ge [sflag:s4], $0x2000  }
0x130: {  	[sflag:s4] =	ssyncset.done $0x0  }
0x131: {  	[sflag:s4] =	ssyncadd.s32 $0xFFFFE000  }
0x132: {  	_ =	swait.ge [sflag:s4], $0x2000  }
0x133: {  	[sflag:s4] =	ssyncset.done $0x0  }
0x134: {  	[sflag:s4] =	ssyncadd.s32 $0xFFFFE000  }
0x135: {  	_ =	swait.ge [sflag:s4], $0x2000  }
0x136: {  	[sflag:s4] =	ssyncset.done $0x0  }
0x137: {  	[sflag:s4] =	ssyncadd.s32 $0xFFFFE000  }
0x138: {  	_ =	swait.ge [sflag:s4], $0x2000  }
0x139: {  	[sflag:s4] =	ssyncset.done $0x0  }
0x13a: {  	[sflag:s4] =	ssyncadd.s32 $0xFFFFE000  }
0x13b: {  	_ =	swait.ge [sflag:s4], $0x2000  }
0x13c: {  	[sflag:s4] =	ssyncset.done $0x0  }
0x13d: {  	[sflag:s4] =	ssyncadd.s32 $0xFFFFE000  }
0x13e: {  	_ =	swait.ge [sflag:s4], $0x2000  }
0x13f: {  	[sflag:s4] =	ssyncset.done $0x0  }
0x140: {  	[sflag:s4] =	ssyncadd.s32 $0xFFFFE000  }
0x141: {  	_ =	swait.ge [sflag:s4], $0x2000  }
0x142: {  	[sflag:s4] =	ssyncset.done $0x0  }
0x143: {  	[sflag:s4] =	ssyncadd.s32 $0xFFFFE000  }
0x144: {  	_ =	swait.ge [sflag:s4], $0x2000  }
0x145: {  	[sflag:s4] =	ssyncset.done $0x0  }
0x146: {  	[sflag:s4] =	ssyncadd.s32 $0xFFFFE000  }
0x147: {  	_ =	swait.ge [sflag:s4], $0x2000  }
0x148: {  	[sflag:s4] =	ssyncset.done $0x0  }
0x149: {  	[sflag:s4] =	ssyncadd.s32 $0xFFFFE000  }
0x14a: {  	_ =	swait.ge [sflag:s4], $0x2000  }
0x14b: {  	[sflag:s4] =	ssyncset.done $0x0  }
0x14c: {  	[sflag:s4] =	ssyncadd.s32 $0xFFFFE000  }
0x14d: {  	_ =	swait.ge [sflag:s4], $0x2000  }
0x14e: {  	[sflag:s4] =	ssyncset.done $0x0  }
0x14f: {  	[sflag:s4] =	ssyncadd.s32 $0xFFFFE000  }
0x150: {  	_ =	swait.ge [sflag:s4], $0x2000  }
0x151: {  	[sflag:s4] =	ssyncset.done $0x0  }
0x152: {  	[sflag:s4] =	ssyncadd.s32 $0xFFFFE000  }
0x153: {  	_ =	swait.ge [sflag:s4], $0x2000  }
0x154: {  	[sflag:s4] =	ssyncset.done $0x0  }
0x155: {  	[sflag:s4] =	ssyncadd.s32 $0xFFFFE000  }
0x156: {  	_ =	swait.ge [sflag:s4], $0x2000  }
0x157: {  	[sflag:s4] =	ssyncset.done $0x0  }
0x158: {  	[sflag:s4] =	ssyncadd.s32 $0xFFFFE000  }
0x159: {  	_ =	swait.ge [sflag:s4], $0x2000  }
0x15a: {  	[sflag:s4] =	ssyncset.done $0x0  }
0x15b: {  	[sflag:s4] =	ssyncadd.s32 $0xFFFFE000  }
0x15c: {  	_ =	swait.ge [sflag:s4], $0x2000  }
0x15d: {  	[sflag:s4] =	ssyncset.done $0x0  }
0x15e: {  	[sflag:s4] =	ssyncadd.s32 $0xFFFFE000  }
0x15f: {  	_ =	swait.ge [sflag:s4], $0x2000  }
0x160: {  	[sflag:s4] =	ssyncset.done $0x0  }
0x161: {  	[sflag:s4] =	ssyncadd.s32 $0xFFFFE000  }
0x162: {  	_ =	swait.ge [sflag:s4], $0x2000  }
0x163: {  	[sflag:s4] =	ssyncset.done $0x0  }
0x164: {  	[sflag:s4] =	ssyncadd.s32 $0xFFFFE000  }
0x165: {  	_ =	swait.ge [sflag:s4], $0x2000  }
0x166: {  	[sflag:s4] =	ssyncset.done $0x0  }
0x167: {  	[sflag:s4] =	ssyncadd.s32 $0xFFFFE000  }
0x168: {  	_ =	swait.ge [sflag:s4], $0x2000  }
0x169: {  	[sflag:s4] =	ssyncset.done $0x0  }
0x16a: {  	[sflag:s4] =	ssyncadd.s32 $0xFFFFE000  }
0x16b: {  	_ =	swait.ge [sflag:s4], $0x2000  }
0x16c: {  	[sflag:s4] =	ssyncset.done $0x0  }
0x16d: {  	[sflag:s4] =	ssyncadd.s32 $0xFFFFE000  }
0x16e: {  	_ =	swait.ge [sflag:s4], $0x2000  }
0x16f: {  	[sflag:s4] =	ssyncset.done $0x0  }
0x170: {  	[sflag:s4] =	ssyncadd.s32 $0xFFFFE000  }
0x171: {  	_ =	swait.ge [sflag:s4], $0x2000  }
0x172: {  	[sflag:s4] =	ssyncset.done $0x0  }
0x173: {  	[sflag:s4] =	ssyncadd.s32 $0xFFFFE000  }
0x174: {  	_ =	swait.ge [sflag:s4], $0x2000  }
0x175: {  	[sflag:s4] =	ssyncset.done $0x0  }
0x176: {  	[sflag:s4] =	ssyncadd.s32 $0xFFFFE000  }
0x177: {  	_ =	swait.ge [sflag:s4], $0x2000  }
0x178: {  	[sflag:s4] =	ssyncset.done $0x0  }
0x179: {  	[sflag:s4] =	ssyncadd.s32 $0xFFFFE000  }
0x17a: {  	_ =	swait.ge [sflag:s4], $0x2000  }
0x17b: {  	[sflag:s4] =	ssyncset.done $0x0  }
0x17c: {  	[sflag:s4] =	ssyncadd.s32 $0xFFFFE000  }
0x17d: {  	_ =	swait.ge [sflag:s4], $0x2000  }
0x17e: {  	[sflag:s4] =	ssyncset.done $0x0  }
0x17f: {  	[sflag:s4] =	ssyncadd.s32 $0xFFFFE000  }
0x180: {  	_ =	swait.ge [sflag:s4], $0x2000  }
0x181: {  	[sflag:s4] =	ssyncset.done $0x0  }
0x182: {  	[sflag:s4] =	ssyncadd.s32 $0xFFFFE000  }
0x183: {  	_ =	swait.ge [sflag:s4], $0x2000  }
0x184: {  	[sflag:s4] =	ssyncset.done $0x0  }
0x185: {  	[sflag:s4] =	ssyncadd.s32 $0xFFFFE000  }
0x186: {  	[bflag:$0x0] =	sbarrier.arrive $0xFFFF  }
0x187: {  	_ =	strace $0x9000004C  }
0x188: {  	s25 =	simm.s32 $0x2000;
	s2 =	simm.s32 $0x1800;
	_ =	strace $0x8000004D  }
0x189: {  	[hbm4b:s1+s18] =	stream.indirect.scatter [tilespmem:s25], [sflag:$0x2], $0x1, s2, s18, $0x2000b8;
	[tilespmem:$0x4940] =	vst v63  }
0x18a: {  	s26 =	simm.s32 $0x1880;
	s28 =	simm.s32 $0x2080  }
0x18b: {  	[hbm4b:s1+s18] =	stream.indirect.scatter [tilespmem:s28], [sflag:$0x2], $0x1, s26, s18, $0x2000b8;
	[tilespmem:$0x4940] =	vst v63  }
0x18c: {  	s2 =	simm.s32 $0x1900;
	s25 =	simm.s32 $0x2100  }
0x18d: {  	[hbm4b:s1+s18] =	stream.indirect.scatter [tilespmem:s25], [sflag:$0x2], $0x1, s2, s18, $0x2000b8;
	[tilespmem:$0x4940] =	vst v63  }
0x18e: {  	s26 =	simm.s32 $0x1980;
	s28 =	simm.s32 $0x2180  }
0x18f: {  	[hbm4b:s1+s18] =	stream.indirect.scatter [tilespmem:s28], [sflag:$0x2], $0x1, s26, s18, $0x2000b8;
	[tilespmem:$0x4940] =	vst v63  }
0x190: {  	s2 =	simm.s32 $0x1A00;
	s25 =	simm.s32 $0x2200  }
0x191: {  	[hbm4b:s1+s18] =	stream.indirect.scatter [tilespmem:s25], [sflag:$0x2], $0x1, s2, s18, $0x2000b8;
	[tilespmem:$0x4940] =	vst v63  }
0x192: {  	s26 =	simm.s32 $0x1A80;
	s28 =	simm.s32 $0x2280  }
0x193: {  	[hbm4b:s1+s18] =	stream.indirect.scatter [tilespmem:s28], [sflag:$0x2], $0x1, s26, s18, $0x2000b8;
	[tilespmem:$0x4940] =	vst v63  }
0x194: {  	s2 =	simm.s32 $0x1B00;
	s25 =	simm.s32 $0x2300  }
0x195: {  	[hbm4b:s1+s18] =	stream.indirect.scatter [tilespmem:s25], [sflag:$0x2], $0x1, s2, s18, $0x2000b8;
	[tilespmem:$0x4940] =	vst v63  }
0x196: {  	s26 =	simm.s32 $0x1B80;
	s28 =	simm.s32 $0x2380  }
0x197: {  	[hbm4b:s1+s18] =	stream.indirect.scatter [tilespmem:s28], [sflag:$0x2], $0x1, s26, s18, $0x2000b8;
	[tilespmem:$0x4940] =	vst v63  }
0x198: {  	s2 =	simm.s32 $0x1C00;
	s25 =	simm.s32 $0x2400  }
0x199: {  	[hbm4b:s1+s18] =	stream.indirect.scatter [tilespmem:s25], [sflag:$0x2], $0x1, s2, s18, $0x2000b8;
	[tilespmem:$0x4940] =	vst v63  }
0x19a: {  	s26 =	simm.s32 $0x1C80;
	s28 =	simm.s32 $0x2480  }
0x19b: {  	[hbm4b:s1+s18] =	stream.indirect.scatter [tilespmem:s28], [sflag:$0x2], $0x1, s26, s18, $0x2000b8;
	[tilespmem:$0x4940] =	vst v63  }
0x19c: {  	s2 =	simm.s32 $0x1D00;
	s25 =	simm.s32 $0x2500  }
0x19d: {  	[hbm4b:s1+s18] =	stream.indirect.scatter [tilespmem:s25], [sflag:$0x2], $0x1, s2, s18, $0x2000b8;
	[tilespmem:$0x4940] =	vst v63  }
0x19e: {  	s26 =	simm.s32 $0x1D80;
	s28 =	simm.s32 $0x2580  }
0x19f: {  	[hbm4b:s1+s18] =	stream.indirect.scatter [tilespmem:s28], [sflag:$0x2], $0x1, s26, s18, $0x2000b8;
	[tilespmem:$0x4940] =	vst v63  }
0x1a0: {  	s2 =	simm.s32 $0x1E00;
	s25 =	simm.s32 $0x2600  }
0x1a1: {  	[hbm4b:s1+s18] =	stream.indirect.scatter [tilespmem:s25], [sflag:$0x2], $0x1, s2, s18, $0x2000b8;
	[tilespmem:$0x4940] =	vst v63  }
0x1a2: {  	s26 =	simm.s32 $0x1E80;
	s28 =	simm.s32 $0x2680  }
0x1a3: {  	[hbm4b:s1+s18] =	stream.indirect.scatter [tilespmem:s28], [sflag:$0x2], $0x1, s26, s18, $0x2000b8;
	[tilespmem:$0x4940] =	vst v63  }
0x1a4: {  	s2 =	simm.s32 $0x1F00;
	s25 =	simm.s32 $0x2700  }
0x1a5: {  	[hbm4b:s1+s18] =	stream.indirect.scatter [tilespmem:s25], [sflag:$0x2], $0x1, s2, s18, $0x2000b8;
	[tilespmem:$0x4940] =	vst v63  }
0x1a6: {  	s26 =	simm.s32 $0x1F80;
	s28 =	simm.s32 $0x2780  }
0x1a7: {  	[hbm4b:s1+s18] =	stream.indirect.scatter [tilespmem:s28], [sflag:$0x2], $0x1, s26, s18, $0x2000b8;
	[tilespmem:$0x4940] =	vst v63  }
0x1a8: {  	_ =	swait.ge [sflag:s23], $0x80  }
0x1a9: {  	[sflag:s23] =	ssyncset.done $0x0  }
0x1aa: {  	[sflag:s23] =	ssyncadd.s32 $0xFFFFFF80  }
0x1ab: {  	_ =	swait.ge [sflag:s23], $0x80  }
0x1ac: {  	[sflag:s23] =	ssyncset.done $0x0  }
0x1ad: {  	[sflag:s23] =	ssyncadd.s32 $0xFFFFFF80  }
0x1ae: {  	_ =	swait.ge [sflag:s23], $0x80  }
0x1af: {  	[sflag:s23] =	ssyncset.done $0x0  }
0x1b0: {  	[sflag:s23] =	ssyncadd.s32 $0xFFFFFF80  }
0x1b1: {  	_ =	swait.ge [sflag:s23], $0x80  }
0x1b2: {  	[sflag:s23] =	ssyncset.done $0x0  }
0x1b3: {  	[sflag:s23] =	ssyncadd.s32 $0xFFFFFF80  }
0x1b4: {  	_ =	swait.ge [sflag:s23], $0x80  }
0x1b5: {  	[sflag:s23] =	ssyncset.done $0x0  }
0x1b6: {  	[sflag:s23] =	ssyncadd.s32 $0xFFFFFF80  }
0x1b7: {  	_ =	swait.ge [sflag:s23], $0x80  }
0x1b8: {  	[sflag:s23] =	ssyncset.done $0x0  }
0x1b9: {  	[sflag:s23] =	ssyncadd.s32 $0xFFFFFF80  }
0x1ba: {  	_ =	swait.ge [sflag:s23], $0x80  }
0x1bb: {  	[sflag:s23] =	ssyncset.done $0x0  }
0x1bc: {  	[sflag:s23] =	ssyncadd.s32 $0xFFFFFF80  }
0x1bd: {  	_ =	swait.ge [sflag:s23], $0x80  }
0x1be: {  	[sflag:s23] =	ssyncset.done $0x0  }
0x1bf: {  	[sflag:s23] =	ssyncadd.s32 $0xFFFFFF80  }
0x1c0: {  	_ =	swait.ge [sflag:s23], $0x80  }
0x1c1: {  	[sflag:s23] =	ssyncset.done $0x0  }
0x1c2: {  	[sflag:s23] =	ssyncadd.s32 $0xFFFFFF80  }
0x1c3: {  	_ =	swait.ge [sflag:s23], $0x80  }
0x1c4: {  	[sflag:s23] =	ssyncset.done $0x0  }
0x1c5: {  	[sflag:s23] =	ssyncadd.s32 $0xFFFFFF80  }
0x1c6: {  	_ =	swait.ge [sflag:s23], $0x80  }
0x1c7: {  	[sflag:s23] =	ssyncset.done $0x0  }
0x1c8: {  	[sflag:s23] =	ssyncadd.s32 $0xFFFFFF80  }
0x1c9: {  	_ =	swait.ge [sflag:s23], $0x80  }
0x1ca: {  	[sflag:s23] =	ssyncset.done $0x0  }
0x1cb: {  	[sflag:s23] =	ssyncadd.s32 $0xFFFFFF80  }
0x1cc: {  	_ =	swait.ge [sflag:s23], $0x80  }
0x1cd: {  	[sflag:s23] =	ssyncset.done $0x0  }
0x1ce: {  	[sflag:s23] =	ssyncadd.s32 $0xFFFFFF80  }
0x1cf: {  	_ =	swait.ge [sflag:s23], $0x80  }
0x1d0: {  	[sflag:s23] =	ssyncset.done $0x0  }
0x1d1: {  	[sflag:s23] =	ssyncadd.s32 $0xFFFFFF80  }
0x1d2: {  	_ =	swait.ge [sflag:s23], $0x80  }
0x1d3: {  	[sflag:s23] =	ssyncset.done $0x0  }
0x1d4: {  	[sflag:s23] =	ssyncadd.s32 $0xFFFFFF80  }
0x1d5: {  	_ =	swait.ge [sflag:s23], $0x80  }
0x1d6: {  	[sflag:s23] =	ssyncset.done $0x0  }
0x1d7: {  	[sflag:s23] =	ssyncadd.s32 $0xFFFFFF80  }
0x1d8: {  	_ =	strace $0x9000004D  }
0x1d9: {  	_ =	strace $0x8000004E  }
0x1da: {  	s0 =	simm.s32 @!p0 $0x2880;
	s2 =	rddreg [dreg:$0xf]  }
0x1db: {  	[tilespmem:s0], [sflag:$0x3] =	stream.linear.gather @!p0 [spmem:s2], $0x80, $0x200038;
	[tilespmem:$0x4940] =	vst v63  }
0x1dc: {  	s0 =	simm.s32 @!p0 $0x3  }
0x1dd: {  	_ =	swait.ge @!p0 [sflag:s0], $0x80  }
0x1de: {  	[sflag:s0] =	ssyncset.done @!p0 $0x0  }
0x1df: {  	[sflag:s0] =	ssyncadd.s32 @!p0 $0xFFFFFF80  }
0x1e0: {  	v7 =	vld @!p0 [tilespmem:$0x2800]  }
0x1e1: {  	v8 =	vld @!p0 [tilespmem:$0x2880]  }
0x1e2: {  	v9 =	vld @!p0 [tilespmem:$0x2810]  }
0x1e3: {  	v10 =	vld @!p0 [tilespmem:$0x2890]  }
0x1e4: {  	v11 =	vld @!p0 [tilespmem:$0x2820]  }
0x1e5: {  	v12 =	vld @!p0 [tilespmem:$0x28A0]  }
0x1e6: {  	v13 =	vld @!p0 [tilespmem:$0x2830]  }
0x1e7: {  	v14 =	vld @!p0 [tilespmem:$0x28B0]  }
0x1e8: {  	v15 =	vld @!p0 [tilespmem:$0x2840]  }
0x1e9: {  	v16 =	vld @!p0 [tilespmem:$0x28C0]  }
0x1ea: {  	v17 =	vld @!p0 [tilespmem:$0x2850]  }
0x1eb: {  	v18 =	vld @!p0 [tilespmem:$0x28D0]  }
0x1ec: {  	v19 =	vld @!p0 [tilespmem:$0x2860]  }
0x1ed: {  	v7 =	vadd.s32 @!p0 v7, v8;
	v8 =	vld @!p0 [tilespmem:$0x28E0]  }
0x1ee: {  	[tilespmem:$0x2800] =	vst @!p0 v7;
	v7 =	vadd.s32 @!p0 v9, v10;
	v9 =	vld @!p0 [tilespmem:$0x2870]  }
0x1ef: {  	v10 =	vld @!p0 [tilespmem:$0x28F0];
	[tilespmem:$0x2810] =	vst @!p0 v7;
	v7 =	vadd.s32 @!p0 v11, v12  }
0x1f0: {  	[tilespmem:$0x2820] =	vst @!p0 v7;
	v7 =	vadd.s32 @!p0 v13, v14  }
0x1f1: {  	[tilespmem:$0x2830] =	vst @!p0 v7;
	v7 =	vadd.s32 @!p0 v15, v16  }
0x1f2: {  	[tilespmem:$0x2840] =	vst @!p0 v7;
	v7 =	vadd.s32 @!p0 v17, v18  }
0x1f3: {  	[tilespmem:$0x2850] =	vst @!p0 v7;
	v7 =	vadd.s32 @!p0 v19, v8  }
0x1f4: {  	s24 =	sadd.s32 $0x1, s24;
	[tilespmem:$0x2860] =	vst @!p0 v7;
	v7 =	vadd.s32 @!p0 v9, v10  }
0x1f5: {  	p1 =	sne.s32 s24, s8;
	s25 =	simm.s32 @!p0 $0x0;
	s26 =	simm.s32 @!p0 $0x2800;
	[tilespmem:$0x2870] =	vst @!p0 v7  }
0x1f6: {  	[hbm4b:s3+s25] =	stream.linear.scatter @!p0 [tilespmem:s26], [sflag:$0x3], $0x80, $0x200038;
	[tilespmem:$0x4940] =	vst v63  }
.Ltmp10:
0x1f7: {  	_ = 	snop;
	(pc) =	sbr.rel @p1 .LBB2_1-.Ltmp10, $4  }
.Ltmp11:
0x1f8: {  	_ =	swait.ge @!p0 [sflag:s0], $0x80;
	(pc) =	sbr.rel @!p1 .LBB2_22-.Ltmp11, $4  }
0x1f9: {  	[sflag:s0] =	ssyncset.done @!p0 $0x0  }
0x1fa: {  	[sflag:s0] =	ssyncadd.s32 @!p0 $0xFFFFFF80  }
0x1fb: {  	_ =	strace $0x9000004E  }
0x1fc: {  	_ = 	snop  }
.LBB2_5:
.Ltmp12:
0x1fd: {  	(pc) =	sbr.rel .LBB2_18-.Ltmp12, $2  }
0x1fe: {  	_ =	sdelay $0x2  }
0x1ff: {  	s28 =	simm.s32 $0x0;
	s30 =	simm.s32 $0x0;
	v11 =	vimm.s32 $0x0;
	v8 =	vimm.s32 $0x0  }
.LBB2_7:
.Ltmp13:
0x200: {  	(pc) =	sbr.rel .LBB2_18-.Ltmp13, $2  }
0x201: {  	_ =	sdelay $0x2  }
0x202: {  	s28 =	simm.s32 $0x0;
	v11 =	vimm.s32 $0x0;
	v8 =	vimm.s32 $0x0  }
.LBB2_9:
.Ltmp14:
0x203: {  	(pc) =	sbr.rel .LBB2_18-.Ltmp14, $2  }
0x204: {  	_ =	sdelay $0x2  }
0x205: {  	s28 =	simm.s32 $0x0;
	s30 =	simm.s32 $0x20;
	v11 =	vimm.s32 $0x0;
	v8 =	vimm.s32 $0x0  }
.LBB2_11:
.Ltmp15:
0x206: {  	(pc) =	sbr.rel .LBB2_18-.Ltmp15, $2  }
0x207: {  	_ =	sdelay $0x2  }
0x208: {  	s28 =	simm.s32 $0x0;
	s30 =	simm.s32 $0x30;
	v11 =	vmov v8  }
.LBB2_13:
.Ltmp16:
0x209: {  	(pc) =	sbr.rel .LBB2_18-.Ltmp16, $2  }
0x20a: {  	_ =	sdelay $0x2  }
0x20b: {  	v12 =	vmov v13;
	s28 =	simm.s32 $0x0;
	v11 =	vmov v7  }
.LBB2_15:
.Ltmp17:
0x20c: {  	(pc) =	sbr.rel .LBB2_18-.Ltmp17, $3  }
0x20d: {  	s0 =	sld [smem:$0x7FD];
	_ =	sdelay $0x1  }
0x20e: {  	s28 =	simm.s32 $0x0  }
0x20f: {  	s30 =	simm.s32 $0x50;
	s31 =	simm.s32 $0x0;
	p6 =	seq.s32 s0, $0x1  }
.LBB2_22:
0x210: {  	_ =	sfence.sel $0x180000  }
0x211: {  	[bflag:$0x0] =	sbarrier.arrive $0xFFFF  }
0x212: {  	_ =	strace $0x90000047  }
0x213: {  	s0 =	stileid.u32;
	[bflag:$0x2] =	sbarrier.arrive $0xFFFF  }
0x214: {  	p0 =	sne.s32 s0, $0x0;
	s0 =	rddreg [dreg:$0x5]  }
0x215: {  	s0 =	sadd.s32 @!p0 $0x100000, s0  }
0x216: {  	[sflag:s0] =	ssyncadd.tile.s32 @!p0 $0x1;
	_ =	shalt  }
.Lfunc_end2:
_tile_overlayer_lowered:
.L_overlay_start_2:
0x217: {  	(tag) =	ssettag $0x2  }
0x218: {  	s0 =	rddreg [dreg:$0x0];
	s2 =	stileid.u32  }
0x219: {  	s1 =	rddreg [dreg:$0x1];
	p0 =	sne.s32 s2, $0x0  }
0x21a: {  	s3 =	rddreg [dreg:$0x2];
	[bflag:$0x3] =	sbarrier.arrive $0xFFFF;
	s2 =	simm.s32 @!p0 $0x1C03  }
0x21b: {  	[timem:s3], [sflag:s2] =	dma.local @!p0 [hbm:s0], s1  }
0x21c: {  	s0 =	simm.s32 @!p0 $0x3  }
0x21d: {  	_ =	swait.ge @!p0 [sflag:s0], s1  }
0x21e: {  	s1 =	ssub.s32 @!p0 $0x0, s1;
	[sflag:s0] =	ssyncset.done @!p0 $0x0  }
0x21f: {  	[sflag:s0] =	ssyncadd.s32 @!p0 s1  }
0x220: {  	[bflag:$0x3] =	sbarrier.arrive $0xFFFF  }
0x221: {  	_ =	shalt  }

</sc_bundles>
